<compile_context>
chip_gen: v7x
topology: tpu7x:2x2x1
jax: 0.10.2.dev20260603
libtpu: 0.0.44.dev20260713+nightly
codegen_flags: <defaults>
</compile_context>

<pallas_src>
import jax
import jax.numpy as jnp
from jax import lax
from jax.experimental import pallas as pl
from jax.experimental.pallas import tpu as pltpu
from jax.experimental.pallas import tpu_sc as plsc


def _field_sc(vals_t, imp_t, free_idx, conn_l, n_nodes, n_free, n_flat):
  info = plsc.get_sparse_core_info()
  nc, ns = info.num_cores, info.num_subcores
  nw = nc * ns

  C1 = -(-n_nodes // ns)
  C1 = -(-C1 // 8) * 8
  r1_last = n_nodes - C1

  nb2 = -(-n_free // 128)
  s2 = -(-nb2 // ns)
  off2_last = n_free - 128

  B3 = 8192
  per_w = -(-n_flat // nw)
  per_w = -(-per_w // B3) * B3
  base_last = n_flat - per_w
  steps = per_w // B3
  t_last = steps - 1
  steps_r = -(-steps // 2) * 2

  mesh = plsc.VectorSubcoreMesh(core_axis_name="c", subcore_axis_name="s")

  @pl.kernel(
      out_type=jax.ShapeDtypeStruct((3, n_flat), jnp.float32),
      mesh=mesh,
      compiler_params=pltpu.CompilerParams(use_tc_tiling_on_sc=False),
      scratch_types=[
          pltpu.VMEM_SHARED((3, n_nodes), jnp.float32),
          pltpu.VMEM((C1,), jnp.float32),
          pltpu.VMEM((s2, 128), jnp.int32),
          pltpu.VMEM((s2, 3, 128), jnp.float32),
          [pltpu.VMEM((B3,), jnp.int32)] * 2,
          [pltpu.VMEM((3, B3), jnp.float32)] * 2,
          [pltpu.SemaphoreType.DMA] * 2,
          [pltpu.SemaphoreType.DMA] * 2,
          [pltpu.SemaphoreType.DMA] * 2,
          pltpu.SemaphoreType.DMA,
          pltpu.SemaphoreType.DMA,
      ],
  )
  def body(vals_hbm, imp_hbm, free_hbm, conn_hbm, out_hbm,
           table, stage, sidx, svals, gidx, obuf, si, so, sg, s2l, s2s):
    cid = lax.axis_index("c")
    sid = lax.axis_index("s")
    wid = sid * nc + cid

    base = jnp.minimum(wid * per_w, base_last)

    def off_of(t):
      return base + jnp.minimum(t, t_last) * B3

    def prefetch(par, t):
      pltpu.async_copy(conn_hbm.at[pl.ds(off_of(t), B3)], gidx[par], si[par])

    prefetch(0, 0)
    prefetch(1, 1)

    def off2_of(k):
      return jnp.minimum((sid * s2 + k) * 128, off2_last)

    @pl.loop(0, s2)
    def _p2load(k):
      off = off2_of(k)
      pltpu.async_copy(free_hbm.at[pl.ds(off, 128)], sidx.at[k], s2l)
      pltpu.async_copy(vals_hbm.at[:, pl.ds(off, 128)], svals.at[k], s2l)

    r0 = jnp.minimum(sid * C1, r1_last)
    for c in range(3):
      pltpu.async_copy(imp_hbm.at[c, pl.ds(r0, C1)],
                       table.at[c, pl.ds(r0, C1)], s2s)
    for c in range(3):
      pltpu.make_async_copy(imp_hbm.at[c, pl.ds(r0, C1)],
                            table.at[c, pl.ds(r0, C1)], s2s).wait()
    plsc.subcore_barrier()

    @pl.loop(0, s2)
    def _p2drain(k):
      off = off2_of(k)
      pltpu.make_async_copy(free_hbm.at[pl.ds(off, 128)], sidx.at[k],
                            s2l).wait()
      pltpu.make_async_copy(vals_hbm.at[:, pl.ds(off, 128)], svals.at[k],
                            s2l).wait()

    @pl.loop(0, s2)
    def _p2scat(k):
      for c in range(3):
        pltpu.async_copy(svals.at[k].at[c], table.at[c].at[sidx.at[k]], s2s)

    @pl.loop(0, s2)
    def _p2wait(k):
      for c in range(3):
        pltpu.make_async_copy(svals.at[k].at[c],
                              table.at[c].at[sidx.at[k]], s2s).wait()
    plsc.subcore_barrier()

    def step(par, t, first):
      r = off_of(t)
      pltpu.make_async_copy(conn_hbm.at[pl.ds(r, B3)], gidx[par],
                            si[par]).wait()
      if not first:
        for c in range(3):
          pltpu.make_async_copy(obuf[par].at[c],
                                out_hbm.at[c, pl.ds(r, B3)], so[par]).wait()
      for c in range(3):
        pltpu.async_copy(table.at[c].at[gidx[par]], obuf[par].at[c],
                         sg[par])
      for c in range(3):
        pltpu.make_async_copy(table.at[c].at[gidx[par]], obuf[par].at[c],
                              sg[par]).wait()
      for c in range(3):
        pltpu.async_copy(obuf[par].at[c], out_hbm.at[c, pl.ds(r, B3)],
                         so[par])
      prefetch(par, t + 2)

    step(0, 0, True)
    step(1, 1, True)

    @pl.loop(1, steps_r // 2)
    def _pipe(k):
      step(0, 2 * k, False)
      step(1, 2 * k + 1, False)

    for par in range(2):
      pltpu.make_async_copy(conn_hbm.at[pl.ds(base, B3)], gidx[par],
                            si[par]).wait()
      for c in range(3):
        pltpu.make_async_copy(obuf[par].at[c],
                              out_hbm.at[c, pl.ds(base, B3)], so[par]).wait()

  return body(vals_t, imp_t, free_idx, conn_l)


def kernel(values_reduced, imposed_full, free_idx, conn):
  n_nodes = imposed_full.shape[0]
  n_free = values_reduced.shape[0]
  n_elem, npe = conn.shape
  n_flat = n_elem * npe
  eb = n_elem // 128
  conn_l = conn.reshape(eb, 128, npe).transpose(0, 2, 1).reshape(-1)
  planes = _field_sc(values_reduced.T, imposed_full.T, free_idx, conn_l,
                     n_nodes, n_free, n_flat)
  out = planes.reshape(3, eb, npe, 128).transpose(1, 3, 2, 0)
  return out.reshape(n_elem, npe, 3)

# --- scband reference (transcript-rebuilt; emitter-appended) ---
"""Pipeline reference for scband-field-74981539053905 (READ-ONLY COPY).

The authoritative reference and input builder live on the scoring server;
editing this copy changes nothing except your own understanding.
"""

import jax, jax.numpy as jnp
import numpy as np

N_NODES = 100000
N_FREE = 95000
N_ELEM = 800000
NODES_PER_ELEM = 4
N_COMP = 3

def setup_inputs(seed: int = 0) -> dict:
    key = jax.random.key(seed)
    k1, k2, k3 = jax.random.split(key, 3)
    # Trainable reduced values (free DoFs only)
    values_reduced = jax.random.normal(k1, (N_FREE, N_COMP), dtype=jnp.float32)
    # Imposed (constrained) full-field values; Dirichlet values live here at
    # constrained node rows, free rows get overwritten by the scatter.
    imposed_full = jnp.zeros((N_NODES, N_COMP), dtype=jnp.float32)
    # Unique sorted indices of free DoFs (constraint mask as index list)
    perm = jax.random.permutation(k2, N_NODES)
    free_idx = jnp.sort(perm[:N_FREE]).astype(jnp.int32)
    # Element connectivity (topology.conn): tetrahedra, 4 node ids per element
    conn = jax.random.randint(k3, (N_ELEM, NODES_PER_ELEM), 0, N_NODES, dtype=jnp.int32)
    return {"values_reduced": values_reduced, "imposed_full": imposed_full,
            "free_idx": free_idx, "conn": conn}

def reference(values_reduced, imposed_full, free_idx, conn):
    # Constraint.expand: scatter-overwrite the reduced (free) values into the
    # full nodal array; constrained rows keep their imposed values.
    full = imposed_full.at[free_idx].set(values_reduced)
    # Field.at_elements: gather full nodal values at element connectivity.
    return full[conn]

if __name__ == "__main__":
    import jax
    _d = setup_inputs()
    print(jax.jit(kernel)(*tuple(_d.values())))

</pallas_src>

<mosaic_0001>
#map = affine_map<(d0, d1) -> (0, 0)>
#map1 = affine_map<(d0, d1) -> (0)>
module attributes {stable_mosaic.version = 14 : i64} {
  func.func @body(%arg0: i32, %arg1: i32, %arg2: memref<3x95000xf32, #tpu.memory_space<hbm>>, %arg3: memref<3x100000xf32, #tpu.memory_space<hbm>>, %arg4: memref<95000xi32, #tpu.memory_space<hbm>>, %arg5: memref<3200000xi32, #tpu.memory_space<hbm>>, %arg6: memref<3x3200000xf32, #tpu.memory_space<hbm>>, %arg7: memref<3x100000xf32, #tpu.memory_space<vmem_shared>>, %arg8: memref<6256xf32, #tpu.memory_space<vmem>>, %arg9: memref<47x128xi32, #tpu.memory_space<vmem>>, %arg10: memref<47x3x128xf32, #tpu.memory_space<vmem>>, %arg11: memref<8192xi32, #tpu.memory_space<vmem>>, %arg12: memref<8192xi32, #tpu.memory_space<vmem>>, %arg13: memref<3x8192xf32, #tpu.memory_space<vmem>>, %arg14: memref<3x8192xf32, #tpu.memory_space<vmem>>, %arg15: memref<!tpu.dma_semaphore, #tpu.memory_space<semaphore_mem>>, %arg16: memref<!tpu.dma_semaphore, #tpu.memory_space<semaphore_mem>>, %arg17: memref<!tpu.dma_semaphore, #tpu.memory_space<semaphore_mem>>, %arg18: memref<!tpu.dma_semaphore, #tpu.memory_space<semaphore_mem>>, %arg19: memref<!tpu.dma_semaphore, #tpu.memory_space<semaphore_mem>>, %arg20: memref<!tpu.dma_semaphore, #tpu.memory_space<semaphore_mem>>, %arg21: memref<!tpu.dma_semaphore, #tpu.memory_space<semaphore_mem>>, %arg22: memref<!tpu.dma_semaphore, #tpu.memory_space<semaphore_mem>>) attributes {dimension_semantics = [#tpu.dimension_semantics<core_parallel>, #tpu.dimension_semantics<subcore_parallel>], iteration_bounds = array<i64: 2, 16>, scalar_prefetch = 0 : i64, scratch_operands = 16 : i64, tpu.core_type = #tpu.core_type<sc_vector_subcore>, window_params = [{transform_indices = #map}, {transform_indices = #map}, {transform_indices = #map1}, {transform_indices = #map1}, {transform_indices = #map}]} {
    %mul3A = arith.constant 2 : i32
    %mul3A_0 = arith.muli %arg1, %mul3A : i32
    %add3A = arith.addi %mul3A_0, %arg0 : i32
    %mul3A_1 = arith.constant 106496 : i32
    %mul3A_2 = arith.muli %add3A, %mul3A_1 : i32
    %min3A = arith.constant 3093504 : i32
    %min3A_3 = arith.minsi %mul3A_2, %min3A : i32
    %min3A_4 = arith.constant 0 : i32
    %min3A_5 = arith.constant 12 : i32
    %min3A_6 = arith.minsi %min3A_4, %min3A_5 : i32
    %mul3A_7 = arith.constant 8192 : i32
    %mul3A_8 = arith.muli %min3A_6, %mul3A_7 : i32
    %add3A_9 = arith.addi %min3A_3, %mul3A_8 : i32
    %dma_start3A = tpu.memref_slice %arg5[%add3A_9] : memref<3200000xi32, #tpu.memory_space<hbm>> -> memref<8192xi32, #tpu.memory_space<hbm>>
    %dma_start3A_10 = tpu.memref_slice %arg5[%add3A_9] : memref<3200000xi32, #tpu.memory_space<hbm>> -> memref<8192xi32, #tpu.memory_space<hbm>>
    tpu.enqueue_dma source(%dma_start3A_10 : memref<8192xi32, #tpu.memory_space<hbm>>) target(%arg11 : memref<8192xi32, #tpu.memory_space<vmem>>) target_semaphore(%arg15 : memref<!tpu.dma_semaphore, #tpu.memory_space<semaphore_mem>>)
    %min3A_11 = arith.constant 1 : i32
    %min3A_12 = arith.constant 12 : i32
    %min3A_13 = arith.minsi %min3A_11, %min3A_12 : i32
    %mul3A_14 = arith.constant 8192 : i32
    %mul3A_15 = arith.muli %min3A_13, %mul3A_14 : i32
    %add3A_16 = arith.addi %min3A_3, %mul3A_15 : i32
    %dma_start3A_17 = tpu.memref_slice %arg5[%add3A_16] : memref<3200000xi32, #tpu.memory_space<hbm>> -> memref<8192xi32, #tpu.memory_space<hbm>>
    %dma_start3A_18 = tpu.memref_slice %arg5[%add3A_16] : memref<3200000xi32, #tpu.memory_space<hbm>> -> memref<8192xi32, #tpu.memory_space<hbm>>
    tpu.enqueue_dma source(%dma_start3A_18 : memref<8192xi32, #tpu.memory_space<hbm>>) target(%arg12 : memref<8192xi32, #tpu.memory_space<vmem>>) target_semaphore(%arg16 : memref<!tpu.dma_semaphore, #tpu.memory_space<semaphore_mem>>)
    %scan3A = arith.constant 0 : i32
    %scan3A_19 = arith.constant 47 : i32
    %scan3A_20 = arith.addi %scan3A, %scan3A_19 : i32
    %scan3A_21 = arith.constant 1 : i32
    scf.for %scan3A_383 = %scan3A to %scan3A_20 step %scan3A_21  : i32 {
      %mul3A_384 = arith.constant 1 : i32
      %mul3A_385 = arith.muli %scan3A_383, %mul3A_384 : i32
      %add3A_386 = arith.constant 0 : i32
      %add3A_387 = arith.addi %add3A_386, %mul3A_385 : i32
      %mul3A_388 = arith.constant 47 : i32
      %mul3A_389 = arith.muli %arg1, %mul3A_388 : i32
      %add3A_390 = arith.addi %mul3A_389, %add3A_387 : i32
      %mul3A_391 = arith.constant 128 : i32
      %mul3A_392 = arith.muli %add3A_390, %mul3A_391 : i32
      %min3A_393 = arith.constant 94872 : i32
      %min3A_394 = arith.minsi %mul3A_392, %min3A_393 : i32
      %dma_start3A_395 = arith.constant 0 : i32
      %dma_start3A_396 = tpu.memref_slice %arg9[%add3A_387, %dma_start3A_395] : memref<47x128xi32, #tpu.memory_space<vmem>> -> memref<1x128xi32, #tpu.memory_space<vmem>>
      %dma_start3A_397 = tpu.memref_squeeze %dma_start3A_396 : memref<1x128xi32, #tpu.memory_space<vmem>> -> memref<128xi32, #tpu.memory_space<vmem>>
      %dma_start3A_398 = tpu.memref_slice %arg4[%min3A_394] : memref<95000xi32, #tpu.memory_space<hbm>> -> memref<128xi32, #tpu.memory_space<hbm>>
      %dma_start3A_399 = arith.constant 0 : i32
      %dma_start3A_400 = tpu.memref_slice %arg9[%add3A_387, %dma_start3A_399] : memref<47x128xi32, #tpu.memory_space<vmem>> -> memref<1x128xi32, #tpu.memory_space<vmem>>
      %dma_start3A_401 = tpu.memref_squeeze %dma_start3A_400 : memref<1x128xi32, #tpu.memory_space<vmem>> -> memref<128xi32, #tpu.memory_space<vmem>>
      %dma_start3A_402 = tpu.memref_slice %arg4[%min3A_394] : memref<95000xi32, #tpu.memory_space<hbm>> -> memref<128xi32, #tpu.memory_space<hbm>>
      tpu.enqueue_dma source(%dma_start3A_402 : memref<128xi32, #tpu.memory_space<hbm>>) target(%dma_start3A_401 : memref<128xi32, #tpu.memory_space<vmem>>) target_semaphore(%arg21 : memref<!tpu.dma_semaphore, #tpu.memory_space<semaphore_mem>>)
      %dma_start3A_403 = arith.constant 0 : i32
      %dma_start3A_404 = arith.constant 0 : i32
      %dma_start3A_405 = tpu.memref_slice %arg10[%add3A_387, %dma_start3A_403, %dma_start3A_404] : memref<47x3x128xf32, #tpu.memory_space<vmem>> -> memref<1x3x128xf32, #tpu.memory_space<vmem>>
      %dma_start3A_406 = tpu.memref_squeeze %dma_start3A_405 : memref<1x3x128xf32, #tpu.memory_space<vmem>> -> memref<3x128xf32, #tpu.memory_space<vmem>>
      %dma_start3A_407 = arith.constant 0 : i32
      %dma_start3A_408 = tpu.memref_slice %arg2[%dma_start3A_407, %min3A_394] : memref<3x95000xf32, #tpu.memory_space<hbm>> -> memref<3x128xf32, #tpu.memory_space<hbm>>
      %dma_start3A_409 = arith.constant 0 : i32
      %dma_start3A_410 = arith.constant 0 : i32
      %dma_start3A_411 = tpu.memref_slice %arg10[%add3A_387, %dma_start3A_409, %dma_start3A_410] : memref<47x3x128xf32, #tpu.memory_space<vmem>> -> memref<1x3x128xf32, #tpu.memory_space<vmem>>
      %dma_start3A_412 = tpu.memref_squeeze %dma_start3A_411 : memref<1x3x128xf32, #tpu.memory_space<vmem>> -> memref<3x128xf32, #tpu.memory_space<vmem>>
      %dma_start3A_413 = arith.constant 0 : i32
      %dma_start3A_414 = tpu.memref_slice %arg2[%dma_start3A_413, %min3A_394] : memref<3x95000xf32, #tpu.memory_space<hbm>> -> memref<3x128xf32, #tpu.memory_space<hbm>>
      tpu.enqueue_dma source(%dma_start3A_414 : memref<3x128xf32, #tpu.memory_space<hbm>>) target(%dma_start3A_412 : memref<3x128xf32, #tpu.memory_space<vmem>>) target_semaphore(%arg21 : memref<!tpu.dma_semaphore, #tpu.memory_space<semaphore_mem>>)
    }
    %scan3A_22 = arith.constant 47 : i32
    %mul3A_23 = arith.constant 6256 : i32
    %mul3A_24 = arith.muli %arg1, %mul3A_23 : i32
    %min3A_25 = arith.constant 93744 : i32
    %min3A_26 = arith.minsi %mul3A_24, %min3A_25 : i32
    %dma_start3A_27 = arith.constant 0 : i32
    %dma_start3A_28 = arith.constant 0 : i32
    %dma_start3A_29 = tpu.memref_slice %arg7[%dma_start3A_28, %min3A_26] : memref<3x100000xf32, #tpu.memory_space<vmem_shared>> -> memref<1x6256xf32, #tpu.memory_space<vmem_shared>>
    %dma_start3A_30 = tpu.memref_squeeze %dma_start3A_29 : memref<1x6256xf32, #tpu.memory_space<vmem_shared>> -> memref<6256xf32, #tpu.memory_space<vmem_shared>>
    %dma_start3A_31 = tpu.memref_slice %arg3[%dma_start3A_27, %min3A_26] : memref<3x100000xf32, #tpu.memory_space<hbm>> -> memref<1x6256xf32, #tpu.memory_space<hbm>>
    %dma_start3A_32 = tpu.memref_squeeze %dma_start3A_31 : memref<1x6256xf32, #tpu.memory_space<hbm>> -> memref<6256xf32, #tpu.memory_space<hbm>>
    tpu.enqueue_dma source(%dma_start3A_32 : memref<6256xf32, #tpu.memory_space<hbm>>) target(%dma_start3A_30 : memref<6256xf32, #tpu.memory_space<vmem_shared>>) target_semaphore(%arg22 : memref<!tpu.dma_semaphore, #tpu.memory_space<semaphore_mem>>)
    %dma_start3A_33 = arith.constant 1 : i32
    %dma_start3A_34 = arith.constant 1 : i32
    %dma_start3A_35 = tpu.memref_slice %arg7[%dma_start3A_34, %min3A_26] : memref<3x100000xf32, #tpu.memory_space<vmem_shared>> -> memref<1x6256xf32, #tpu.memory_space<vmem_shared>>
    %dma_start3A_36 = tpu.memref_squeeze %dma_start3A_35 : memref<1x6256xf32, #tpu.memory_space<vmem_shared>> -> memref<6256xf32, #tpu.memory_space<vmem_shared>>
    %dma_start3A_37 = tpu.memref_slice %arg3[%dma_start3A_33, %min3A_26] : memref<3x100000xf32, #tpu.memory_space<hbm>> -> memref<1x6256xf32, #tpu.memory_space<hbm>>
    %dma_start3A_38 = tpu.memref_squeeze %dma_start3A_37 : memref<1x6256xf32, #tpu.memory_space<hbm>> -> memref<6256xf32, #tpu.memory_space<hbm>>
    tpu.enqueue_dma source(%dma_start3A_38 : memref<6256xf32, #tpu.memory_space<hbm>>) target(%dma_start3A_36 : memref<6256xf32, #tpu.memory_space<vmem_shared>>) target_semaphore(%arg22 : memref<!tpu.dma_semaphore, #tpu.memory_space<semaphore_mem>>)
    %dma_start3A_39 = arith.constant 2 : i32
    %dma_start3A_40 = arith.constant 2 : i32
    %dma_start3A_41 = tpu.memref_slice %arg7[%dma_start3A_40, %min3A_26] : memref<3x100000xf32, #tpu.memory_space<vmem_shared>> -> memref<1x6256xf32, #tpu.memory_space<vmem_shared>>
    %dma_start3A_42 = tpu.memref_squeeze %dma_start3A_41 : memref<1x6256xf32, #tpu.memory_space<vmem_shared>> -> memref<6256xf32, #tpu.memory_space<vmem_shared>>
    %dma_start3A_43 = tpu.memref_slice %arg3[%dma_start3A_39, %min3A_26] : memref<3x100000xf32, #tpu.memory_space<hbm>> -> memref<1x6256xf32, #tpu.memory_space<hbm>>
    %dma_start3A_44 = tpu.memref_squeeze %dma_start3A_43 : memref<1x6256xf32, #tpu.memory_space<hbm>> -> memref<6256xf32, #tpu.memory_space<hbm>>
    tpu.enqueue_dma source(%dma_start3A_44 : memref<6256xf32, #tpu.memory_space<hbm>>) target(%dma_start3A_42 : memref<6256xf32, #tpu.memory_space<vmem_shared>>) target_semaphore(%arg22 : memref<!tpu.dma_semaphore, #tpu.memory_space<semaphore_mem>>)
    %dma_wait3A = arith.constant 0 : i32
    %dma_wait3A_45 = arith.constant 0 : i32
    %dma_wait3A_46 = tpu.memref_slice %arg7[%dma_wait3A_45, %min3A_26] : memref<3x100000xf32, #tpu.memory_space<vmem_shared>> -> memref<1x6256xf32, #tpu.memory_space<vmem_shared>>
    %dma_wait3A_47 = tpu.memref_squeeze %dma_wait3A_46 : memref<1x6256xf32, #tpu.memory_space<vmem_shared>> -> memref<6256xf32, #tpu.memory_space<vmem_shared>>
    %dma_wait3A_48 = tpu.memref_slice %arg3[%dma_wait3A, %min3A_26] : memref<3x100000xf32, #tpu.memory_space<hbm>> -> memref<1x6256xf32, #tpu.memory_space<hbm>>
    %dma_wait3A_49 = tpu.memref_squeeze %dma_wait3A_48 : memref<1x6256xf32, #tpu.memory_space<hbm>> -> memref<6256xf32, #tpu.memory_space<hbm>>
    tpu.wait_dma2 semaphore(%arg22 : memref<!tpu.dma_semaphore, #tpu.memory_space<semaphore_mem>>) src(%dma_wait3A_49 : memref<6256xf32, #tpu.memory_space<hbm>>) dst(%dma_wait3A_47 : memref<6256xf32, #tpu.memory_space<vmem_shared>>)
    %dma_wait3A_50 = arith.constant 1 : i32
    %dma_wait3A_51 = arith.constant 1 : i32
    %dma_wait3A_52 = tpu.memref_slice %arg7[%dma_wait3A_51, %min3A_26] : memref<3x100000xf32, #tpu.memory_space<vmem_shared>> -> memref<1x6256xf32, #tpu.memory_space<vmem_shared>>
    %dma_wait3A_53 = tpu.memref_squeeze %dma_wait3A_52 : memref<1x6256xf32, #tpu.memory_space<vmem_shared>> -> memref<6256xf32, #tpu.memory_space<vmem_shared>>
    %dma_wait3A_54 = tpu.memref_slice %arg3[%dma_wait3A_50, %min3A_26] : memref<3x100000xf32, #tpu.memory_space<hbm>> -> memref<1x6256xf32, #tpu.memory_space<hbm>>
    %dma_wait3A_55 = tpu.memref_squeeze %dma_wait3A_54 : memref<1x6256xf32, #tpu.memory_space<hbm>> -> memref<6256xf32, #tpu.memory_space<hbm>>
    tpu.wait_dma2 semaphore(%arg22 : memref<!tpu.dma_semaphore, #tpu.memory_space<semaphore_mem>>) src(%dma_wait3A_55 : memref<6256xf32, #tpu.memory_space<hbm>>) dst(%dma_wait3A_53 : memref<6256xf32, #tpu.memory_space<vmem_shared>>)
    %dma_wait3A_56 = arith.constant 2 : i32
    %dma_wait3A_57 = arith.constant 2 : i32
    %dma_wait3A_58 = tpu.memref_slice %arg7[%dma_wait3A_57, %min3A_26] : memref<3x100000xf32, #tpu.memory_space<vmem_shared>> -> memref<1x6256xf32, #tpu.memory_space<vmem_shared>>
    %dma_wait3A_59 = tpu.memref_squeeze %dma_wait3A_58 : memref<1x6256xf32, #tpu.memory_space<vmem_shared>> -> memref<6256xf32, #tpu.memory_space<vmem_shared>>
    %dma_wait3A_60 = tpu.memref_slice %arg3[%dma_wait3A_56, %min3A_26] : memref<3x100000xf32, #tpu.memory_space<hbm>> -> memref<1x6256xf32, #tpu.memory_space<hbm>>
    %dma_wait3A_61 = tpu.memref_squeeze %dma_wait3A_60 : memref<1x6256xf32, #tpu.memory_space<hbm>> -> memref<6256xf32, #tpu.memory_space<hbm>>
    tpu.wait_dma2 semaphore(%arg22 : memref<!tpu.dma_semaphore, #tpu.memory_space<semaphore_mem>>) src(%dma_wait3A_61 : memref<6256xf32, #tpu.memory_space<hbm>>) dst(%dma_wait3A_59 : memref<6256xf32, #tpu.memory_space<vmem_shared>>)
    %barrier3A = arith.constant 0 : index
    tpu.barrier barrier_id(%barrier3A)
    %scan3A_62 = arith.constant 0 : i32
    %scan3A_63 = arith.constant 47 : i32
    %scan3A_64 = arith.addi %scan3A_62, %scan3A_63 : i32
    %scan3A_65 = arith.constant 1 : i32
    scf.for %scan3A_383 = %scan3A_62 to %scan3A_64 step %scan3A_65  : i32 {
      %mul3A_384 = arith.constant 1 : i32
      %mul3A_385 = arith.muli %scan3A_383, %mul3A_384 : i32
      %add3A_386 = arith.constant 0 : i32
      %add3A_387 = arith.addi %add3A_386, %mul3A_385 : i32
      %mul3A_388 = arith.constant 47 : i32
      %mul3A_389 = arith.muli %arg1, %mul3A_388 : i32
      %add3A_390 = arith.addi %mul3A_389, %add3A_387 : i32
      %mul3A_391 = arith.constant 128 : i32
      %mul3A_392 = arith.muli %add3A_390, %mul3A_391 : i32
      %min3A_393 = arith.constant 94872 : i32
      %min3A_394 = arith.minsi %mul3A_392, %min3A_393 : i32
      %dma_wait3A_395 = arith.constant 0 : i32
      %dma_wait3A_396 = tpu.memref_slice %arg9[%add3A_387, %dma_wait3A_395] : memref<47x128xi32, #tpu.memory_space<vmem>> -> memref<1x128xi32, #tpu.memory_space<vmem>>
      %dma_wait3A_397 = tpu.memref_squeeze %dma_wait3A_396 : memref<1x128xi32, #tpu.memory_space<vmem>> -> memref<128xi32, #tpu.memory_space<vmem>>
      %dma_wait3A_398 = tpu.memref_slice %arg4[%min3A_394] : memref<95000xi32, #tpu.memory_space<hbm>> -> memref<128xi32, #tpu.memory_space<hbm>>
      %dma_wait3A_399 = arith.constant 0 : i32
      %dma_wait3A_400 = tpu.memref_slice %arg9[%add3A_387, %dma_wait3A_399] : memref<47x128xi32, #tpu.memory_space<vmem>> -> memref<1x128xi32, #tpu.memory_space<vmem>>
      %dma_wait3A_401 = tpu.memref_squeeze %dma_wait3A_400 : memref<1x128xi32, #tpu.memory_space<vmem>> -> memref<128xi32, #tpu.memory_space<vmem>>
      %dma_wait3A_402 = tpu.memref_slice %arg4[%min3A_394] : memref<95000xi32, #tpu.memory_space<hbm>> -> memref<128xi32, #tpu.memory_space<hbm>>
      tpu.wait_dma2 semaphore(%arg21 : memref<!tpu.dma_semaphore, #tpu.memory_space<semaphore_mem>>) src(%dma_wait3A_402 : memref<128xi32, #tpu.memory_space<hbm>>) dst(%dma_wait3A_401 : memref<128xi32, #tpu.memory_space<vmem>>)
      %dma_wait3A_403 = arith.constant 0 : i32
      %dma_wait3A_404 = arith.constant 0 : i32
      %dma_wait3A_405 = tpu.memref_slice %arg10[%add3A_387, %dma_wait3A_403, %dma_wait3A_404] : memref<47x3x128xf32, #tpu.memory_space<vmem>> -> memref<1x3x128xf32, #tpu.memory_space<vmem>>
      %dma_wait3A_406 = tpu.memref_squeeze %dma_wait3A_405 : memref<1x3x128xf32, #tpu.memory_space<vmem>> -> memref<3x128xf32, #tpu.memory_space<vmem>>
      %dma_wait3A_407 = arith.constant 0 : i32
      %dma_wait3A_408 = tpu.memref_slice %arg2[%dma_wait3A_407, %min3A_394] : memref<3x95000xf32, #tpu.memory_space<hbm>> -> memref<3x128xf32, #tpu.memory_space<hbm>>
      %dma_wait3A_409 = arith.constant 0 : i32
      %dma_wait3A_410 = arith.constant 0 : i32
      %dma_wait3A_411 = tpu.memref_slice %arg10[%add3A_387, %dma_wait3A_409, %dma_wait3A_410] : memref<47x3x128xf32, #tpu.memory_space<vmem>> -> memref<1x3x128xf32, #tpu.memory_space<vmem>>
      %dma_wait3A_412 = tpu.memref_squeeze %dma_wait3A_411 : memref<1x3x128xf32, #tpu.memory_space<vmem>> -> memref<3x128xf32, #tpu.memory_space<vmem>>
      %dma_wait3A_413 = arith.constant 0 : i32
      %dma_wait3A_414 = tpu.memref_slice %arg2[%dma_wait3A_413, %min3A_394] : memref<3x95000xf32, #tpu.memory_space<hbm>> -> memref<3x128xf32, #tpu.memory_space<hbm>>
      tpu.wait_dma2 semaphore(%arg21 : memref<!tpu.dma_semaphore, #tpu.memory_space<semaphore_mem>>) src(%dma_wait3A_414 : memref<3x128xf32, #tpu.memory_space<hbm>>) dst(%dma_wait3A_412 : memref<3x128xf32, #tpu.memory_space<vmem>>)
    }
    %scan3A_66 = arith.constant 47 : i32
    %scan3A_67 = arith.constant 0 : i32
    %scan3A_68 = arith.constant 47 : i32
    %scan3A_69 = arith.addi %scan3A_67, %scan3A_68 : i32
    %scan3A_70 = arith.constant 1 : i32
    scf.for %scan3A_383 = %scan3A_67 to %scan3A_69 step %scan3A_70  : i32 {
      %mul3A_384 = arith.constant 1 : i32
      %mul3A_385 = arith.muli %scan3A_383, %mul3A_384 : i32
      %add3A_386 = arith.constant 0 : i32
      %add3A_387 = arith.addi %add3A_386, %mul3A_385 : i32
      %dma_start3A_388 = arith.constant 0 : i32
      %dma_start3A_389 = arith.constant 0 : i32
      %dma_start3A_390 = arith.constant 0 : i32
      %dma_start3A_391 = arith.constant 0 : i32
      %dma_start3A_392 = tpu.memref_slice %arg10[%add3A_387, %dma_start3A_390, %dma_start3A_391] : memref<47x3x128xf32, #tpu.memory_space<vmem>> -> memref<1x3x128xf32, #tpu.memory_space<vmem>>
      %dma_start3A_393 = tpu.memref_squeeze %dma_start3A_392 : memref<1x3x128xf32, #tpu.memory_space<vmem>> -> memref<3x128xf32, #tpu.memory_space<vmem>>
      %dma_start3A_394 = arith.constant 0 : i32
      %dma_start3A_395 = tpu.memref_slice %dma_start3A_393[%dma_start3A_388, %dma_start3A_394] : memref<3x128xf32, #tpu.memory_space<vmem>> -> memref<1x128xf32, #tpu.memory_space<vmem>>
      %dma_start3A_396 = tpu.memref_squeeze %dma_start3A_395 : memref<1x128xf32, #tpu.memory_space<vmem>> -> memref<128xf32, #tpu.memory_space<vmem>>
      %dma_start3A_397 = arith.constant 0 : i32
      %dma_start3A_398 = tpu.memref_slice %arg9[%add3A_387, %dma_start3A_397] : memref<47x128xi32, #tpu.memory_space<vmem>> -> memref<1x128xi32, #tpu.memory_space<vmem>>
      %dma_start3A_399 = tpu.memref_squeeze %dma_start3A_398 : memref<1x128xi32, #tpu.memory_space<vmem>> -> memref<128xi32, #tpu.memory_space<vmem>>
      %dma_start3A_400 = arith.constant 0 : i32
      %dma_start3A_401 = tpu.memref_slice %arg7[%dma_start3A_389, %dma_start3A_400] : memref<3x100000xf32, #tpu.memory_space<vmem_shared>> -> memref<1x100000xf32, #tpu.memory_space<vmem_shared>>
      %dma_start3A_402 = tpu.memref_squeeze %dma_start3A_401 : memref<1x100000xf32, #tpu.memory_space<vmem_shared>> -> memref<100000xf32, #tpu.memory_space<vmem_shared>>
      %dma_start3A_403 = arith.constant 0 : i32
      %dma_start3A_404 = tpu.memref_slice %dma_start3A_402[%dma_start3A_403] : memref<100000xf32, #tpu.memory_space<vmem_shared>> -> memref<100000xf32, #tpu.memory_space<vmem_shared>>
      tpu.enqueue_indirect_dma source(%dma_start3A_396 : memref<128xf32, #tpu.memory_space<vmem>>) target(%dma_start3A_404 : memref<100000xf32, #tpu.memory_space<vmem_shared>>) offsets(%dma_start3A_399 : memref<128xi32, #tpu.memory_space<vmem>>) semaphore(%arg22 : memref<!tpu.dma_semaphore, #tpu.memory_space<semaphore_mem>>)
      %dma_start3A_405 = arith.constant 1 : i32
      %dma_start3A_406 = arith.constant 1 : i32
      %dma_start3A_407 = arith.constant 0 : i32
      %dma_start3A_408 = arith.constant 0 : i32
      %dma_start3A_409 = tpu.memref_slice %arg10[%add3A_387, %dma_start3A_407, %dma_start3A_408] : memref<47x3x128xf32, #tpu.memory_space<vmem>> -> memref<1x3x128xf32, #tpu.memory_space<vmem>>
      %dma_start3A_410 = tpu.memref_squeeze %dma_start3A_409 : memref<1x3x128xf32, #tpu.memory_space<vmem>> -> memref<3x128xf32, #tpu.memory_space<vmem>>
      %dma_start3A_411 = arith.constant 0 : i32
      %dma_start3A_412 = tpu.memref_slice %dma_start3A_410[%dma_start3A_405, %dma_start3A_411] : memref<3x128xf32, #tpu.memory_space<vmem>> -> memref<1x128xf32, #tpu.memory_space<vmem>>
      %dma_start3A_413 = tpu.memref_squeeze %dma_start3A_412 : memref<1x128xf32, #tpu.memory_space<vmem>> -> memref<128xf32, #tpu.memory_space<vmem>>
      %dma_start3A_414 = arith.constant 0 : i32
      %dma_start3A_415 = tpu.memref_slice %arg9[%add3A_387, %dma_start3A_414] : memref<47x128xi32, #tpu.memory_space<vmem>> -> memref<1x128xi32, #tpu.memory_space<vmem>>
      %dma_start3A_416 = tpu.memref_squeeze %dma_start3A_415 : memref<1x128xi32, #tpu.memory_space<vmem>> -> memref<128xi32, #tpu.memory_space<vmem>>
      %dma_start3A_417 = arith.constant 0 : i32
      %dma_start3A_418 = tpu.memref_slice %arg7[%dma_start3A_406, %dma_start3A_417] : memref<3x100000xf32, #tpu.memory_space<vmem_shared>> -> memref<1x100000xf32, #tpu.memory_space<vmem_shared>>
      %dma_start3A_419 = tpu.memref_squeeze %dma_start3A_418 : memref<1x100000xf32, #tpu.memory_space<vmem_shared>> -> memref<100000xf32, #tpu.memory_space<vmem_shared>>
      %dma_start3A_420 = arith.constant 0 : i32
      %dma_start3A_421 = tpu.memref_slice %dma_start3A_419[%dma_start3A_420] : memref<100000xf32, #tpu.memory_space<vmem_shared>> -> memref<100000xf32, #tpu.memory_space<vmem_shared>>
      tpu.enqueue_indirect_dma source(%dma_start3A_413 : memref<128xf32, #tpu.memory_space<vmem>>) target(%dma_start3A_421 : memref<100000xf32, #tpu.memory_space<vmem_shared>>) offsets(%dma_start3A_416 : memref<128xi32, #tpu.memory_space<vmem>>) semaphore(%arg22 : memref<!tpu.dma_semaphore, #tpu.memory_space<semaphore_mem>>)
      %dma_start3A_422 = arith.constant 2 : i32
      %dma_start3A_423 = arith.constant 2 : i32
      %dma_start3A_424 = arith.constant 0 : i32
      %dma_start3A_425 = arith.constant 0 : i32
      %dma_start3A_426 = tpu.memref_slice %arg10[%add3A_387, %dma_start3A_424, %dma_start3A_425] : memref<47x3x128xf32, #tpu.memory_space<vmem>> -> memref<1x3x128xf32, #tpu.memory_space<vmem>>
      %dma_start3A_427 = tpu.memref_squeeze %dma_start3A_426 : memref<1x3x128xf32, #tpu.memory_space<vmem>> -> memref<3x128xf32, #tpu.memory_space<vmem>>
      %dma_start3A_428 = arith.constant 0 : i32
      %dma_start3A_429 = tpu.memref_slice %dma_start3A_427[%dma_start3A_422, %dma_start3A_428] : memref<3x128xf32, #tpu.memory_space<vmem>> -> memref<1x128xf32, #tpu.memory_space<vmem>>
      %dma_start3A_430 = tpu.memref_squeeze %dma_start3A_429 : memref<1x128xf32, #tpu.memory_space<vmem>> -> memref<128xf32, #tpu.memory_space<vmem>>
      %dma_start3A_431 = arith.constant 0 : i32
      %dma_start3A_432 = tpu.memref_slice %arg9[%add3A_387, %dma_start3A_431] : memref<47x128xi32, #tpu.memory_space<vmem>> -> memref<1x128xi32, #tpu.memory_space<vmem>>
      %dma_start3A_433 = tpu.memref_squeeze %dma_start3A_432 : memref<1x128xi32, #tpu.memory_space<vmem>> -> memref<128xi32, #tpu.memory_space<vmem>>
      %dma_start3A_434 = arith.constant 0 : i32
      %dma_start3A_435 = tpu.memref_slice %arg7[%dma_start3A_423, %dma_start3A_434] : memref<3x100000xf32, #tpu.memory_space<vmem_shared>> -> memref<1x100000xf32, #tpu.memory_space<vmem_shared>>
      %dma_start3A_436 = tpu.memref_squeeze %dma_start3A_435 : memref<1x100000xf32, #tpu.memory_space<vmem_shared>> -> memref<100000xf32, #tpu.memory_space<vmem_shared>>
      %dma_start3A_437 = arith.constant 0 : i32
      %dma_start3A_438 = tpu.memref_slice %dma_start3A_436[%dma_start3A_437] : memref<100000xf32, #tpu.memory_space<vmem_shared>> -> memref<100000xf32, #tpu.memory_space<vmem_shared>>
      tpu.enqueue_indirect_dma source(%dma_start3A_430 : memref<128xf32, #tpu.memory_space<vmem>>) target(%dma_start3A_438 : memref<100000xf32, #tpu.memory_space<vmem_shared>>) offsets(%dma_start3A_433 : memref<128xi32, #tpu.memory_space<vmem>>) semaphore(%arg22 : memref<!tpu.dma_semaphore, #tpu.memory_space<semaphore_mem>>)
    }
    %scan3A_71 = arith.constant 47 : i32
    %scan3A_72 = arith.constant 0 : i32
    %scan3A_73 = arith.constant 47 : i32
    %scan3A_74 = arith.addi %scan3A_72, %scan3A_73 : i32
    %scan3A_75 = arith.constant 1 : i32
    scf.for %scan3A_383 = %scan3A_72 to %scan3A_74 step %scan3A_75  : i32 {
      %mul3A_384 = arith.constant 1 : i32
      %mul3A_385 = arith.muli %scan3A_383, %mul3A_384 : i32
      %add3A_386 = arith.constant 0 : i32
      %add3A_387 = arith.addi %add3A_386, %mul3A_385 : i32
      %dma_wait3A_388 = arith.constant 0 : i32
      %dma_wait3A_389 = arith.constant 0 : i32
      %dma_wait3A_390 = arith.constant 0 : i32
      %dma_wait3A_391 = arith.constant 0 : i32
      %dma_wait3A_392 = tpu.memref_slice %arg10[%add3A_387, %dma_wait3A_390, %dma_wait3A_391] : memref<47x3x128xf32, #tpu.memory_space<vmem>> -> memref<1x3x128xf32, #tpu.memory_space<vmem>>
      %dma_wait3A_393 = tpu.memref_squeeze %dma_wait3A_392 : memref<1x3x128xf32, #tpu.memory_space<vmem>> -> memref<3x128xf32, #tpu.memory_space<vmem>>
      %dma_wait3A_394 = arith.constant 0 : i32
      %dma_wait3A_395 = tpu.memref_slice %dma_wait3A_393[%dma_wait3A_388, %dma_wait3A_394] : memref<3x128xf32, #tpu.memory_space<vmem>> -> memref<1x128xf32, #tpu.memory_space<vmem>>
      %dma_wait3A_396 = tpu.memref_squeeze %dma_wait3A_395 : memref<1x128xf32, #tpu.memory_space<vmem>> -> memref<128xf32, #tpu.memory_space<vmem>>
      %dma_wait3A_397 = arith.constant 0 : i32
      %dma_wait3A_398 = tpu.memref_slice %arg9[%add3A_387, %dma_wait3A_397] : memref<47x128xi32, #tpu.memory_space<vmem>> -> memref<1x128xi32, #tpu.memory_space<vmem>>
      %dma_wait3A_399 = tpu.memref_squeeze %dma_wait3A_398 : memref<1x128xi32, #tpu.memory_space<vmem>> -> memref<128xi32, #tpu.memory_space<vmem>>
      %dma_wait3A_400 = arith.constant 0 : i32
      %dma_wait3A_401 = tpu.memref_slice %arg7[%dma_wait3A_389, %dma_wait3A_400] : memref<3x100000xf32, #tpu.memory_space<vmem_shared>> -> memref<1x100000xf32, #tpu.memory_space<vmem_shared>>
      %dma_wait3A_402 = tpu.memref_squeeze %dma_wait3A_401 : memref<1x100000xf32, #tpu.memory_space<vmem_shared>> -> memref<100000xf32, #tpu.memory_space<vmem_shared>>
      %dma_wait3A_403 = arith.constant 0 : i32
      %dma_wait3A_404 = tpu.memref_slice %dma_wait3A_402[%dma_wait3A_403] : memref<100000xf32, #tpu.memory_space<vmem_shared>> -> memref<100000xf32, #tpu.memory_space<vmem_shared>>
      tpu.wait_indirect_dma semaphore(%arg22 : memref<!tpu.dma_semaphore, #tpu.memory_space<semaphore_mem>>) src(%dma_wait3A_396 : memref<128xf32, #tpu.memory_space<vmem>>) dst(%dma_wait3A_404 : memref<100000xf32, #tpu.memory_space<vmem_shared>>)
      %dma_wait3A_405 = arith.constant 1 : i32
      %dma_wait3A_406 = arith.constant 1 : i32
      %dma_wait3A_407 = arith.constant 0 : i32
      %dma_wait3A_408 = arith.constant 0 : i32
      %dma_wait3A_409 = tpu.memref_slice %arg10[%add3A_387, %dma_wait3A_407, %dma_wait3A_408] : memref<47x3x128xf32, #tpu.memory_space<vmem>> -> memref<1x3x128xf32, #tpu.memory_space<vmem>>
      %dma_wait3A_410 = tpu.memref_squeeze %dma_wait3A_409 : memref<1x3x128xf32, #tpu.memory_space<vmem>> -> memref<3x128xf32, #tpu.memory_space<vmem>>
      %dma_wait3A_411 = arith.constant 0 : i32
      %dma_wait3A_412 = tpu.memref_slice %dma_wait3A_410[%dma_wait3A_405, %dma_wait3A_411] : memref<3x128xf32, #tpu.memory_space<vmem>> -> memref<1x128xf32, #tpu.memory_space<vmem>>
      %dma_wait3A_413 = tpu.memref_squeeze %dma_wait3A_412 : memref<1x128xf32, #tpu.memory_space<vmem>> -> memref<128xf32, #tpu.memory_space<vmem>>
      %dma_wait3A_414 = arith.constant 0 : i32
      %dma_wait3A_415 = tpu.memref_slice %arg9[%add3A_387, %dma_wait3A_414] : memref<47x128xi32, #tpu.memory_space<vmem>> -> memref<1x128xi32, #tpu.memory_space<vmem>>
      %dma_wait3A_416 = tpu.memref_squeeze %dma_wait3A_415 : memref<1x128xi32, #tpu.memory_space<vmem>> -> memref<128xi32, #tpu.memory_space<vmem>>
      %dma_wait3A_417 = arith.constant 0 : i32
      %dma_wait3A_418 = tpu.memref_slice %arg7[%dma_wait3A_406, %dma_wait3A_417] : memref<3x100000xf32, #tpu.memory_space<vmem_shared>> -> memref<1x100000xf32, #tpu.memory_space<vmem_shared>>
      %dma_wait3A_419 = tpu.memref_squeeze %dma_wait3A_418 : memref<1x100000xf32, #tpu.memory_space<vmem_shared>> -> memref<100000xf32, #tpu.memory_space<vmem_shared>>
      %dma_wait3A_420 = arith.constant 0 : i32
      %dma_wait3A_421 = tpu.memref_slice %dma_wait3A_419[%dma_wait3A_420] : memref<100000xf32, #tpu.memory_space<vmem_shared>> -> memref<100000xf32, #tpu.memory_space<vmem_shared>>
      tpu.wait_indirect_dma semaphore(%arg22 : memref<!tpu.dma_semaphore, #tpu.memory_space<semaphore_mem>>) src(%dma_wait3A_413 : memref<128xf32, #tpu.memory_space<vmem>>) dst(%dma_wait3A_421 : memref<100000xf32, #tpu.memory_space<vmem_shared>>)
      %dma_wait3A_422 = arith.constant 2 : i32
      %dma_wait3A_423 = arith.constant 2 : i32
      %dma_wait3A_424 = arith.constant 0 : i32
      %dma_wait3A_425 = arith.constant 0 : i32
      %dma_wait3A_426 = tpu.memref_slice %arg10[%add3A_387, %dma_wait3A_424, %dma_wait3A_425] : memref<47x3x128xf32, #tpu.memory_space<vmem>> -> memref<1x3x128xf32, #tpu.memory_space<vmem>>
      %dma_wait3A_427 = tpu.memref_squeeze %dma_wait3A_426 : memref<1x3x128xf32, #tpu.memory_space<vmem>> -> memref<3x128xf32, #tpu.memory_space<vmem>>
      %dma_wait3A_428 = arith.constant 0 : i32
      %dma_wait3A_429 = tpu.memref_slice %dma_wait3A_427[%dma_wait3A_422, %dma_wait3A_428] : memref<3x128xf32, #tpu.memory_space<vmem>> -> memref<1x128xf32, #tpu.memory_space<vmem>>
      %dma_wait3A_430 = tpu.memref_squeeze %dma_wait3A_429 : memref<1x128xf32, #tpu.memory_space<vmem>> -> memref<128xf32, #tpu.memory_space<vmem>>
      %dma_wait3A_431 = arith.constant 0 : i32
      %dma_wait3A_432 = tpu.memref_slice %arg9[%add3A_387, %dma_wait3A_431] : memref<47x128xi32, #tpu.memory_space<vmem>> -> memref<1x128xi32, #tpu.memory_space<vmem>>
      %dma_wait3A_433 = tpu.memref_squeeze %dma_wait3A_432 : memref<1x128xi32, #tpu.memory_space<vmem>> -> memref<128xi32, #tpu.memory_space<vmem>>
      %dma_wait3A_434 = arith.constant 0 : i32
      %dma_wait3A_435 = tpu.memref_slice %arg7[%dma_wait3A_423, %dma_wait3A_434] : memref<3x100000xf32, #tpu.memory_space<vmem_shared>> -> memref<1x100000xf32, #tpu.memory_space<vmem_shared>>
      %dma_wait3A_436 = tpu.memref_squeeze %dma_wait3A_435 : memref<1x100000xf32, #tpu.memory_space<vmem_shared>> -> memref<100000xf32, #tpu.memory_space<vmem_shared>>
      %dma_wait3A_437 = arith.constant 0 : i32
      %dma_wait3A_438 = tpu.memref_slice %dma_wait3A_436[%dma_wait3A_437] : memref<100000xf32, #tpu.memory_space<vmem_shared>> -> memref<100000xf32, #tpu.memory_space<vmem_shared>>
      tpu.wait_indirect_dma semaphore(%arg22 : memref<!tpu.dma_semaphore, #tpu.memory_space<semaphore_mem>>) src(%dma_wait3A_430 : memref<128xf32, #tpu.memory_space<vmem>>) dst(%dma_wait3A_438 : memref<100000xf32, #tpu.memory_space<vmem_shared>>)
    }
    %scan3A_76 = arith.constant 47 : i32
    %barrier3A_77 = arith.constant 0 : index
    tpu.barrier barrier_id(%barrier3A_77)
    %min3A_78 = arith.constant 0 : i32
    %min3A_79 = arith.constant 12 : i32
    %min3A_80 = arith.minsi %min3A_78, %min3A_79 : i32
    %mul3A_81 = arith.constant 8192 : i32
    %mul3A_82 = arith.muli %min3A_80, %mul3A_81 : i32
    %add3A_83 = arith.addi %min3A_3, %mul3A_82 : i32
    %dma_wait3A_84 = tpu.memref_slice %arg5[%add3A_83] : memref<3200000xi32, #tpu.memory_space<hbm>> -> memref<8192xi32, #tpu.memory_space<hbm>>
    %dma_wait3A_85 = tpu.memref_slice %arg5[%add3A_83] : memref<3200000xi32, #tpu.memory_space<hbm>> -> memref<8192xi32, #tpu.memory_space<hbm>>
    tpu.wait_dma2 semaphore(%arg15 : memref<!tpu.dma_semaphore, #tpu.memory_space<semaphore_mem>>) src(%dma_wait3A_85 : memref<8192xi32, #tpu.memory_space<hbm>>) dst(%arg11 : memref<8192xi32, #tpu.memory_space<vmem>>)
    %dma_start3A_86 = arith.constant 0 : i32
    %dma_start3A_87 = arith.constant 0 : i32
    %dma_start3A_88 = arith.constant 0 : i32
    %dma_start3A_89 = tpu.memref_slice %arg13[%dma_start3A_87, %dma_start3A_88] : memref<3x8192xf32, #tpu.memory_space<vmem>> -> memref<1x8192xf32, #tpu.memory_space<vmem>>
    %dma_start3A_90 = tpu.memref_squeeze %dma_start3A_89 : memref<1x8192xf32, #tpu.memory_space<vmem>> -> memref<8192xf32, #tpu.memory_space<vmem>>
    %dma_start3A_91 = arith.constant 0 : i32
    %dma_start3A_92 = tpu.memref_slice %arg7[%dma_start3A_86, %dma_start3A_91] : memref<3x100000xf32, #tpu.memory_space<vmem_shared>> -> memref<1x100000xf32, #tpu.memory_space<vmem_shared>>
    %dma_start3A_93 = tpu.memref_squeeze %dma_start3A_92 : memref<1x100000xf32, #tpu.memory_space<vmem_shared>> -> memref<100000xf32, #tpu.memory_space<vmem_shared>>
    %dma_start3A_94 = arith.constant 0 : i32
    %dma_start3A_95 = tpu.memref_slice %dma_start3A_93[%dma_start3A_94] : memref<100000xf32, #tpu.memory_space<vmem_shared>> -> memref<100000xf32, #tpu.memory_space<vmem_shared>>
    tpu.enqueue_indirect_dma source(%dma_start3A_95 : memref<100000xf32, #tpu.memory_space<vmem_shared>>) target(%dma_start3A_90 : memref<8192xf32, #tpu.memory_space<vmem>>) offsets(%arg11 : memref<8192xi32, #tpu.memory_space<vmem>>) semaphore(%arg19 : memref<!tpu.dma_semaphore, #tpu.memory_space<semaphore_mem>>)
    %dma_start3A_96 = arith.constant 1 : i32
    %dma_start3A_97 = arith.constant 1 : i32
    %dma_start3A_98 = arith.constant 0 : i32
    %dma_start3A_99 = tpu.memref_slice %arg13[%dma_start3A_97, %dma_start3A_98] : memref<3x8192xf32, #tpu.memory_space<vmem>> -> memref<1x8192xf32, #tpu.memory_space<vmem>>
    %dma_start3A_100 = tpu.memref_squeeze %dma_start3A_99 : memref<1x8192xf32, #tpu.memory_space<vmem>> -> memref<8192xf32, #tpu.memory_space<vmem>>
    %dma_start3A_101 = arith.constant 0 : i32
    %dma_start3A_102 = tpu.memref_slice %arg7[%dma_start3A_96, %dma_start3A_101] : memref<3x100000xf32, #tpu.memory_space<vmem_shared>> -> memref<1x100000xf32, #tpu.memory_space<vmem_shared>>
    %dma_start3A_103 = tpu.memref_squeeze %dma_start3A_102 : memref<1x100000xf32, #tpu.memory_space<vmem_shared>> -> memref<100000xf32, #tpu.memory_space<vmem_shared>>
    %dma_start3A_104 = arith.constant 0 : i32
    %dma_start3A_105 = tpu.memref_slice %dma_start3A_103[%dma_start3A_104] : memref<100000xf32, #tpu.memory_space<vmem_shared>> -> memref<100000xf32, #tpu.memory_space<vmem_shared>>
    tpu.enqueue_indirect_dma source(%dma_start3A_105 : memref<100000xf32, #tpu.memory_space<vmem_shared>>) target(%dma_start3A_100 : memref<8192xf32, #tpu.memory_space<vmem>>) offsets(%arg11 : memref<8192xi32, #tpu.memory_space<vmem>>) semaphore(%arg19 : memref<!tpu.dma_semaphore, #tpu.memory_space<semaphore_mem>>)
    %dma_start3A_106 = arith.constant 2 : i32
    %dma_start3A_107 = arith.constant 2 : i32
    %dma_start3A_108 = arith.constant 0 : i32
    %dma_start3A_109 = tpu.memref_slice %arg13[%dma_start3A_107, %dma_start3A_108] : memref<3x8192xf32, #tpu.memory_space<vmem>> -> memref<1x8192xf32, #tpu.memory_space<vmem>>
    %dma_start3A_110 = tpu.memref_squeeze %dma_start3A_109 : memref<1x8192xf32, #tpu.memory_space<vmem>> -> memref<8192xf32, #tpu.memory_space<vmem>>
    %dma_start3A_111 = arith.constant 0 : i32
    %dma_start3A_112 = tpu.memref_slice %arg7[%dma_start3A_106, %dma_start3A_111] : memref<3x100000xf32, #tpu.memory_space<vmem_shared>> -> memref<1x100000xf32, #tpu.memory_space<vmem_shared>>
    %dma_start3A_113 = tpu.memref_squeeze %dma_start3A_112 : memref<1x100000xf32, #tpu.memory_space<vmem_shared>> -> memref<100000xf32, #tpu.memory_space<vmem_shared>>
    %dma_start3A_114 = arith.constant 0 : i32
    %dma_start3A_115 = tpu.memref_slice %dma_start3A_113[%dma_start3A_114] : memref<100000xf32, #tpu.memory_space<vmem_shared>> -> memref<100000xf32, #tpu.memory_space<vmem_shared>>
    tpu.enqueue_indirect_dma source(%dma_start3A_115 : memref<100000xf32, #tpu.memory_space<vmem_shared>>) target(%dma_start3A_110 : memref<8192xf32, #tpu.memory_space<vmem>>) offsets(%arg11 : memref<8192xi32, #tpu.memory_space<vmem>>) semaphore(%arg19 : memref<!tpu.dma_semaphore, #tpu.memory_space<semaphore_mem>>)
    %dma_wait3A_116 = arith.constant 0 : i32
    %dma_wait3A_117 = arith.constant 0 : i32
    %dma_wait3A_118 = arith.constant 0 : i32
    %dma_wait3A_119 = tpu.memref_slice %arg13[%dma_wait3A_117, %dma_wait3A_118] : memref<3x8192xf32, #tpu.memory_space<vmem>> -> memref<1x8192xf32, #tpu.memory_space<vmem>>
    %dma_wait3A_120 = tpu.memref_squeeze %dma_wait3A_119 : memref<1x8192xf32, #tpu.memory_space<vmem>> -> memref<8192xf32, #tpu.memory_space<vmem>>
    %dma_wait3A_121 = arith.constant 0 : i32
    %dma_wait3A_122 = tpu.memref_slice %arg7[%dma_wait3A_116, %dma_wait3A_121] : memref<3x100000xf32, #tpu.memory_space<vmem_shared>> -> memref<1x100000xf32, #tpu.memory_space<vmem_shared>>
    %dma_wait3A_123 = tpu.memref_squeeze %dma_wait3A_122 : memref<1x100000xf32, #tpu.memory_space<vmem_shared>> -> memref<100000xf32, #tpu.memory_space<vmem_shared>>
    %dma_wait3A_124 = arith.constant 0 : i32
    %dma_wait3A_125 = tpu.memref_slice %dma_wait3A_123[%dma_wait3A_124] : memref<100000xf32, #tpu.memory_space<vmem_shared>> -> memref<100000xf32, #tpu.memory_space<vmem_shared>>
    tpu.wait_indirect_dma semaphore(%arg19 : memref<!tpu.dma_semaphore, #tpu.memory_space<semaphore_mem>>) src(%dma_wait3A_125 : memref<100000xf32, #tpu.memory_space<vmem_shared>>) dst(%dma_wait3A_120 : memref<8192xf32, #tpu.memory_space<vmem>>)
    %dma_wait3A_126 = arith.constant 1 : i32
    %dma_wait3A_127 = arith.constant 1 : i32
    %dma_wait3A_128 = arith.constant 0 : i32
    %dma_wait3A_129 = tpu.memref_slice %arg13[%dma_wait3A_127, %dma_wait3A_128] : memref<3x8192xf32, #tpu.memory_space<vmem>> -> memref<1x8192xf32, #tpu.memory_space<vmem>>
    %dma_wait3A_130 = tpu.memref_squeeze %dma_wait3A_129 : memref<1x8192xf32, #tpu.memory_space<vmem>> -> memref<8192xf32, #tpu.memory_space<vmem>>
    %dma_wait3A_131 = arith.constant 0 : i32
    %dma_wait3A_132 = tpu.memref_slice %arg7[%dma_wait3A_126, %dma_wait3A_131] : memref<3x100000xf32, #tpu.memory_space<vmem_shared>> -> memref<1x100000xf32, #tpu.memory_space<vmem_shared>>
    %dma_wait3A_133 = tpu.memref_squeeze %dma_wait3A_132 : memref<1x100000xf32, #tpu.memory_space<vmem_shared>> -> memref<100000xf32, #tpu.memory_space<vmem_shared>>
    %dma_wait3A_134 = arith.constant 0 : i32
    %dma_wait3A_135 = tpu.memref_slice %dma_wait3A_133[%dma_wait3A_134] : memref<100000xf32, #tpu.memory_space<vmem_shared>> -> memref<100000xf32, #tpu.memory_space<vmem_shared>>
    tpu.wait_indirect_dma semaphore(%arg19 : memref<!tpu.dma_semaphore, #tpu.memory_space<semaphore_mem>>) src(%dma_wait3A_135 : memref<100000xf32, #tpu.memory_space<vmem_shared>>) dst(%dma_wait3A_130 : memref<8192xf32, #tpu.memory_space<vmem>>)
    %dma_wait3A_136 = arith.constant 2 : i32
    %dma_wait3A_137 = arith.constant 2 : i32
    %dma_wait3A_138 = arith.constant 0 : i32
    %dma_wait3A_139 = tpu.memref_slice %arg13[%dma_wait3A_137, %dma_wait3A_138] : memref<3x8192xf32, #tpu.memory_space<vmem>> -> memref<1x8192xf32, #tpu.memory_space<vmem>>
    %dma_wait3A_140 = tpu.memref_squeeze %dma_wait3A_139 : memref<1x8192xf32, #tpu.memory_space<vmem>> -> memref<8192xf32, #tpu.memory_space<vmem>>
    %dma_wait3A_141 = arith.constant 0 : i32
    %dma_wait3A_142 = tpu.memref_slice %arg7[%dma_wait3A_136, %dma_wait3A_141] : memref<3x100000xf32, #tpu.memory_space<vmem_shared>> -> memref<1x100000xf32, #tpu.memory_space<vmem_shared>>
    %dma_wait3A_143 = tpu.memref_squeeze %dma_wait3A_142 : memref<1x100000xf32, #tpu.memory_space<vmem_shared>> -> memref<100000xf32, #tpu.memory_space<vmem_shared>>
    %dma_wait3A_144 = arith.constant 0 : i32
    %dma_wait3A_145 = tpu.memref_slice %dma_wait3A_143[%dma_wait3A_144] : memref<100000xf32, #tpu.memory_space<vmem_shared>> -> memref<100000xf32, #tpu.memory_space<vmem_shared>>
    tpu.wait_indirect_dma semaphore(%arg19 : memref<!tpu.dma_semaphore, #tpu.memory_space<semaphore_mem>>) src(%dma_wait3A_145 : memref<100000xf32, #tpu.memory_space<vmem_shared>>) dst(%dma_wait3A_140 : memref<8192xf32, #tpu.memory_space<vmem>>)
    %dma_start3A_146 = arith.constant 0 : i32
    %dma_start3A_147 = arith.constant 0 : i32
    %dma_start3A_148 = arith.constant 0 : i32
    %dma_start3A_149 = tpu.memref_slice %arg13[%dma_start3A_146, %dma_start3A_148] : memref<3x8192xf32, #tpu.memory_space<vmem>> -> memref<1x8192xf32, #tpu.memory_space<vmem>>
    %dma_start3A_150 = tpu.memref_squeeze %dma_start3A_149 : memref<1x8192xf32, #tpu.memory_space<vmem>> -> memref<8192xf32, #tpu.memory_space<vmem>>
    %dma_start3A_151 = tpu.memref_slice %arg6[%dma_start3A_147, %add3A_83] : memref<3x3200000xf32, #tpu.memory_space<hbm>> -> memref<1x8192xf32, #tpu.memory_space<hbm>>
    %dma_start3A_152 = tpu.memref_squeeze %dma_start3A_151 : memref<1x8192xf32, #tpu.memory_space<hbm>> -> memref<8192xf32, #tpu.memory_space<hbm>>
    %dma_start3A_153 = tpu.memref_slice %arg6[%dma_start3A_147, %add3A_83] : memref<3x3200000xf32, #tpu.memory_space<hbm>> -> memref<1x8192xf32, #tpu.memory_space<hbm>>
    %dma_start3A_154 = tpu.memref_squeeze %dma_start3A_153 : memref<1x8192xf32, #tpu.memory_space<hbm>> -> memref<8192xf32, #tpu.memory_space<hbm>>
    %dma_start3A_155 = arith.constant 0 : i32
    %dma_start3A_156 = tpu.memref_slice %arg13[%dma_start3A_146, %dma_start3A_155] : memref<3x8192xf32, #tpu.memory_space<vmem>> -> memref<1x8192xf32, #tpu.memory_space<vmem>>
    %dma_start3A_157 = tpu.memref_squeeze %dma_start3A_156 : memref<1x8192xf32, #tpu.memory_space<vmem>> -> memref<8192xf32, #tpu.memory_space<vmem>>
    tpu.enqueue_dma source(%dma_start3A_157 : memref<8192xf32, #tpu.memory_space<vmem>>) target(%dma_start3A_154 : memref<8192xf32, #tpu.memory_space<hbm>>) target_semaphore(%arg17 : memref<!tpu.dma_semaphore, #tpu.memory_space<semaphore_mem>>)
    %dma_start3A_158 = arith.constant 1 : i32
    %dma_start3A_159 = arith.constant 1 : i32
    %dma_start3A_160 = arith.constant 0 : i32
    %dma_start3A_161 = tpu.memref_slice %arg13[%dma_start3A_158, %dma_start3A_160] : memref<3x8192xf32, #tpu.memory_space<vmem>> -> memref<1x8192xf32, #tpu.memory_space<vmem>>
    %dma_start3A_162 = tpu.memref_squeeze %dma_start3A_161 : memref<1x8192xf32, #tpu.memory_space<vmem>> -> memref<8192xf32, #tpu.memory_space<vmem>>
    %dma_start3A_163 = tpu.memref_slice %arg6[%dma_start3A_159, %add3A_83] : memref<3x3200000xf32, #tpu.memory_space<hbm>> -> memref<1x8192xf32, #tpu.memory_space<hbm>>
    %dma_start3A_164 = tpu.memref_squeeze %dma_start3A_163 : memref<1x8192xf32, #tpu.memory_space<hbm>> -> memref<8192xf32, #tpu.memory_space<hbm>>
    %dma_start3A_165 = tpu.memref_slice %arg6[%dma_start3A_159, %add3A_83] : memref<3x3200000xf32, #tpu.memory_space<hbm>> -> memref<1x8192xf32, #tpu.memory_space<hbm>>
    %dma_start3A_166 = tpu.memref_squeeze %dma_start3A_165 : memref<1x8192xf32, #tpu.memory_space<hbm>> -> memref<8192xf32, #tpu.memory_space<hbm>>
    %dma_start3A_167 = arith.constant 0 : i32
    %dma_start3A_168 = tpu.memref_slice %arg13[%dma_start3A_158, %dma_start3A_167] : memref<3x8192xf32, #tpu.memory_space<vmem>> -> memref<1x8192xf32, #tpu.memory_space<vmem>>
    %dma_start3A_169 = tpu.memref_squeeze %dma_start3A_168 : memref<1x8192xf32, #tpu.memory_space<vmem>> -> memref<8192xf32, #tpu.memory_space<vmem>>
    tpu.enqueue_dma source(%dma_start3A_169 : memref<8192xf32, #tpu.memory_space<vmem>>) target(%dma_start3A_166 : memref<8192xf32, #tpu.memory_space<hbm>>) target_semaphore(%arg17 : memref<!tpu.dma_semaphore, #tpu.memory_space<semaphore_mem>>)
    %dma_start3A_170 = arith.constant 2 : i32
    %dma_start3A_171 = arith.constant 2 : i32
    %dma_start3A_172 = arith.constant 0 : i32
    %dma_start3A_173 = tpu.memref_slice %arg13[%dma_start3A_170, %dma_start3A_172] : memref<3x8192xf32, #tpu.memory_space<vmem>> -> memref<1x8192xf32, #tpu.memory_space<vmem>>
    %dma_start3A_174 = tpu.memref_squeeze %dma_start3A_173 : memref<1x8192xf32, #tpu.memory_space<vmem>> -> memref<8192xf32, #tpu.memory_space<vmem>>
    %dma_start3A_175 = tpu.memref_slice %arg6[%dma_start3A_171, %add3A_83] : memref<3x3200000xf32, #tpu.memory_space<hbm>> -> memref<1x8192xf32, #tpu.memory_space<hbm>>
    %dma_start3A_176 = tpu.memref_squeeze %dma_start3A_175 : memref<1x8192xf32, #tpu.memory_space<hbm>> -> memref<8192xf32, #tpu.memory_space<hbm>>
    %dma_start3A_177 = tpu.memref_slice %arg6[%dma_start3A_171, %add3A_83] : memref<3x3200000xf32, #tpu.memory_space<hbm>> -> memref<1x8192xf32, #tpu.memory_space<hbm>>
    %dma_start3A_178 = tpu.memref_squeeze %dma_start3A_177 : memref<1x8192xf32, #tpu.memory_space<hbm>> -> memref<8192xf32, #tpu.memory_space<hbm>>
    %dma_start3A_179 = arith.constant 0 : i32
    %dma_start3A_180 = tpu.memref_slice %arg13[%dma_start3A_170, %dma_start3A_179] : memref<3x8192xf32, #tpu.memory_space<vmem>> -> memref<1x8192xf32, #tpu.memory_space<vmem>>
    %dma_start3A_181 = tpu.memref_squeeze %dma_start3A_180 : memref<1x8192xf32, #tpu.memory_space<vmem>> -> memref<8192xf32, #tpu.memory_space<vmem>>
    tpu.enqueue_dma source(%dma_start3A_181 : memref<8192xf32, #tpu.memory_space<vmem>>) target(%dma_start3A_178 : memref<8192xf32, #tpu.memory_space<hbm>>) target_semaphore(%arg17 : memref<!tpu.dma_semaphore, #tpu.memory_space<semaphore_mem>>)
    %min3A_182 = arith.constant 2 : i32
    %min3A_183 = arith.constant 12 : i32
    %min3A_184 = arith.minsi %min3A_182, %min3A_183 : i32
    %mul3A_185 = arith.constant 8192 : i32
    %mul3A_186 = arith.muli %min3A_184, %mul3A_185 : i32
    %add3A_187 = arith.addi %min3A_3, %mul3A_186 : i32
    %dma_start3A_188 = tpu.memref_slice %arg5[%add3A_187] : memref<3200000xi32, #tpu.memory_space<hbm>> -> memref<8192xi32, #tpu.memory_space<hbm>>
    %dma_start3A_189 = tpu.memref_slice %arg5[%add3A_187] : memref<3200000xi32, #tpu.memory_space<hbm>> -> memref<8192xi32, #tpu.memory_space<hbm>>
    tpu.enqueue_dma source(%dma_start3A_189 : memref<8192xi32, #tpu.memory_space<hbm>>) target(%arg11 : memref<8192xi32, #tpu.memory_space<vmem>>) target_semaphore(%arg15 : memref<!tpu.dma_semaphore, #tpu.memory_space<semaphore_mem>>)
    %min3A_190 = arith.constant 1 : i32
    %min3A_191 = arith.constant 12 : i32
    %min3A_192 = arith.minsi %min3A_190, %min3A_191 : i32
    %mul3A_193 = arith.constant 8192 : i32
    %mul3A_194 = arith.muli %min3A_192, %mul3A_193 : i32
    %add3A_195 = arith.addi %min3A_3, %mul3A_194 : i32
    %dma_wait3A_196 = tpu.memref_slice %arg5[%add3A_195] : memref<3200000xi32, #tpu.memory_space<hbm>> -> memref<8192xi32, #tpu.memory_space<hbm>>
    %dma_wait3A_197 = tpu.memref_slice %arg5[%add3A_195] : memref<3200000xi32, #tpu.memory_space<hbm>> -> memref<8192xi32, #tpu.memory_space<hbm>>
    tpu.wait_dma2 semaphore(%arg16 : memref<!tpu.dma_semaphore, #tpu.memory_space<semaphore_mem>>) src(%dma_wait3A_197 : memref<8192xi32, #tpu.memory_space<hbm>>) dst(%arg12 : memref<8192xi32, #tpu.memory_space<vmem>>)
    %dma_start3A_198 = arith.constant 0 : i32
    %dma_start3A_199 = arith.constant 0 : i32
    %dma_start3A_200 = arith.constant 0 : i32
    %dma_start3A_201 = tpu.memref_slice %arg14[%dma_start3A_199, %dma_start3A_200] : memref<3x8192xf32, #tpu.memory_space<vmem>> -> memref<1x8192xf32, #tpu.memory_space<vmem>>
    %dma_start3A_202 = tpu.memref_squeeze %dma_start3A_201 : memref<1x8192xf32, #tpu.memory_space<vmem>> -> memref<8192xf32, #tpu.memory_space<vmem>>
    %dma_start3A_203 = arith.constant 0 : i32
    %dma_start3A_204 = tpu.memref_slice %arg7[%dma_start3A_198, %dma_start3A_203] : memref<3x100000xf32, #tpu.memory_space<vmem_shared>> -> memref<1x100000xf32, #tpu.memory_space<vmem_shared>>
    %dma_start3A_205 = tpu.memref_squeeze %dma_start3A_204 : memref<1x100000xf32, #tpu.memory_space<vmem_shared>> -> memref<100000xf32, #tpu.memory_space<vmem_shared>>
    %dma_start3A_206 = arith.constant 0 : i32
    %dma_start3A_207 = tpu.memref_slice %dma_start3A_205[%dma_start3A_206] : memref<100000xf32, #tpu.memory_space<vmem_shared>> -> memref<100000xf32, #tpu.memory_space<vmem_shared>>
    tpu.enqueue_indirect_dma source(%dma_start3A_207 : memref<100000xf32, #tpu.memory_space<vmem_shared>>) target(%dma_start3A_202 : memref<8192xf32, #tpu.memory_space<vmem>>) offsets(%arg12 : memref<8192xi32, #tpu.memory_space<vmem>>) semaphore(%arg20 : memref<!tpu.dma_semaphore, #tpu.memory_space<semaphore_mem>>)
    %dma_start3A_208 = arith.constant 1 : i32
    %dma_start3A_209 = arith.constant 1 : i32
    %dma_start3A_210 = arith.constant 0 : i32
    %dma_start3A_211 = tpu.memref_slice %arg14[%dma_start3A_209, %dma_start3A_210] : memref<3x8192xf32, #tpu.memory_space<vmem>> -> memref<1x8192xf32, #tpu.memory_space<vmem>>
    %dma_start3A_212 = tpu.memref_squeeze %dma_start3A_211 : memref<1x8192xf32, #tpu.memory_space<vmem>> -> memref<8192xf32, #tpu.memory_space<vmem>>
    %dma_start3A_213 = arith.constant 0 : i32
    %dma_start3A_214 = tpu.memref_slice %arg7[%dma_start3A_208, %dma_start3A_213] : memref<3x100000xf32, #tpu.memory_space<vmem_shared>> -> memref<1x100000xf32, #tpu.memory_space<vmem_shared>>
    %dma_start3A_215 = tpu.memref_squeeze %dma_start3A_214 : memref<1x100000xf32, #tpu.memory_space<vmem_shared>> -> memref<100000xf32, #tpu.memory_space<vmem_shared>>
    %dma_start3A_216 = arith.constant 0 : i32
    %dma_start3A_217 = tpu.memref_slice %dma_start3A_215[%dma_start3A_216] : memref<100000xf32, #tpu.memory_space<vmem_shared>> -> memref<100000xf32, #tpu.memory_space<vmem_shared>>
    tpu.enqueue_indirect_dma source(%dma_start3A_217 : memref<100000xf32, #tpu.memory_space<vmem_shared>>) target(%dma_start3A_212 : memref<8192xf32, #tpu.memory_space<vmem>>) offsets(%arg12 : memref<8192xi32, #tpu.memory_space<vmem>>) semaphore(%arg20 : memref<!tpu.dma_semaphore, #tpu.memory_space<semaphore_mem>>)
    %dma_start3A_218 = arith.constant 2 : i32
    %dma_start3A_219 = arith.constant 2 : i32
    %dma_start3A_220 = arith.constant 0 : i32
    %dma_start3A_221 = tpu.memref_slice %arg14[%dma_start3A_219, %dma_start3A_220] : memref<3x8192xf32, #tpu.memory_space<vmem>> -> memref<1x8192xf32, #tpu.memory_space<vmem>>
    %dma_start3A_222 = tpu.memref_squeeze %dma_start3A_221 : memref<1x8192xf32, #tpu.memory_space<vmem>> -> memref<8192xf32, #tpu.memory_space<vmem>>
    %dma_start3A_223 = arith.constant 0 : i32
    %dma_start3A_224 = tpu.memref_slice %arg7[%dma_start3A_218, %dma_start3A_223] : memref<3x100000xf32, #tpu.memory_space<vmem_shared>> -> memref<1x100000xf32, #tpu.memory_space<vmem_shared>>
    %dma_start3A_225 = tpu.memref_squeeze %dma_start3A_224 : memref<1x100000xf32, #tpu.memory_space<vmem_shared>> -> memref<100000xf32, #tpu.memory_space<vmem_shared>>
    %dma_start3A_226 = arith.constant 0 : i32
    %dma_start3A_227 = tpu.memref_slice %dma_start3A_225[%dma_start3A_226] : memref<100000xf32, #tpu.memory_space<vmem_shared>> -> memref<100000xf32, #tpu.memory_space<vmem_shared>>
    tpu.enqueue_indirect_dma source(%dma_start3A_227 : memref<100000xf32, #tpu.memory_space<vmem_shared>>) target(%dma_start3A_222 : memref<8192xf32, #tpu.memory_space<vmem>>) offsets(%arg12 : memref<8192xi32, #tpu.memory_space<vmem>>) semaphore(%arg20 : memref<!tpu.dma_semaphore, #tpu.memory_space<semaphore_mem>>)
    %dma_wait3A_228 = arith.constant 0 : i32
    %dma_wait3A_229 = arith.constant 0 : i32
    %dma_wait3A_230 = arith.constant 0 : i32
    %dma_wait3A_231 = tpu.memref_slice %arg14[%dma_wait3A_229, %dma_wait3A_230] : memref<3x8192xf32, #tpu.memory_space<vmem>> -> memref<1x8192xf32, #tpu.memory_space<vmem>>
    %dma_wait3A_232 = tpu.memref_squeeze %dma_wait3A_231 : memref<1x8192xf32, #tpu.memory_space<vmem>> -> memref<8192xf32, #tpu.memory_space<vmem>>
    %dma_wait3A_233 = arith.constant 0 : i32
    %dma_wait3A_234 = tpu.memref_slice %arg7[%dma_wait3A_228, %dma_wait3A_233] : memref<3x100000xf32, #tpu.memory_space<vmem_shared>> -> memref<1x100000xf32, #tpu.memory_space<vmem_shared>>
    %dma_wait3A_235 = tpu.memref_squeeze %dma_wait3A_234 : memref<1x100000xf32, #tpu.memory_space<vmem_shared>> -> memref<100000xf32, #tpu.memory_space<vmem_shared>>
    %dma_wait3A_236 = arith.constant 0 : i32
    %dma_wait3A_237 = tpu.memref_slice %dma_wait3A_235[%dma_wait3A_236] : memref<100000xf32, #tpu.memory_space<vmem_shared>> -> memref<100000xf32, #tpu.memory_space<vmem_shared>>
    tpu.wait_indirect_dma semaphore(%arg20 : memref<!tpu.dma_semaphore, #tpu.memory_space<semaphore_mem>>) src(%dma_wait3A_237 : memref<100000xf32, #tpu.memory_space<vmem_shared>>) dst(%dma_wait3A_232 : memref<8192xf32, #tpu.memory_space<vmem>>)
    %dma_wait3A_238 = arith.constant 1 : i32
    %dma_wait3A_239 = arith.constant 1 : i32
    %dma_wait3A_240 = arith.constant 0 : i32
    %dma_wait3A_241 = tpu.memref_slice %arg14[%dma_wait3A_239, %dma_wait3A_240] : memref<3x8192xf32, #tpu.memory_space<vmem>> -> memref<1x8192xf32, #tpu.memory_space<vmem>>
    %dma_wait3A_242 = tpu.memref_squeeze %dma_wait3A_241 : memref<1x8192xf32, #tpu.memory_space<vmem>> -> memref<8192xf32, #tpu.memory_space<vmem>>
    %dma_wait3A_243 = arith.constant 0 : i32
    %dma_wait3A_244 = tpu.memref_slice %arg7[%dma_wait3A_238, %dma_wait3A_243] : memref<3x100000xf32, #tpu.memory_space<vmem_shared>> -> memref<1x100000xf32, #tpu.memory_space<vmem_shared>>
    %dma_wait3A_245 = tpu.memref_squeeze %dma_wait3A_244 : memref<1x100000xf32, #tpu.memory_space<vmem_shared>> -> memref<100000xf32, #tpu.memory_space<vmem_shared>>
    %dma_wait3A_246 = arith.constant 0 : i32
    %dma_wait3A_247 = tpu.memref_slice %dma_wait3A_245[%dma_wait3A_246] : memref<100000xf32, #tpu.memory_space<vmem_shared>> -> memref<100000xf32, #tpu.memory_space<vmem_shared>>
    tpu.wait_indirect_dma semaphore(%arg20 : memref<!tpu.dma_semaphore, #tpu.memory_space<semaphore_mem>>) src(%dma_wait3A_247 : memref<100000xf32, #tpu.memory_space<vmem_shared>>) dst(%dma_wait3A_242 : memref<8192xf32, #tpu.memory_space<vmem>>)
    %dma_wait3A_248 = arith.constant 2 : i32
    %dma_wait3A_249 = arith.constant 2 : i32
    %dma_wait3A_250 = arith.constant 0 : i32
    %dma_wait3A_251 = tpu.memref_slice %arg14[%dma_wait3A_249, %dma_wait3A_250] : memref<3x8192xf32, #tpu.memory_space<vmem>> -> memref<1x8192xf32, #tpu.memory_space<vmem>>
    %dma_wait3A_252 = tpu.memref_squeeze %dma_wait3A_251 : memref<1x8192xf32, #tpu.memory_space<vmem>> -> memref<8192xf32, #tpu.memory_space<vmem>>
    %dma_wait3A_253 = arith.constant 0 : i32
    %dma_wait3A_254 = tpu.memref_slice %arg7[%dma_wait3A_248, %dma_wait3A_253] : memref<3x100000xf32, #tpu.memory_space<vmem_shared>> -> memref<1x100000xf32, #tpu.memory_space<vmem_shared>>
    %dma_wait3A_255 = tpu.memref_squeeze %dma_wait3A_254 : memref<1x100000xf32, #tpu.memory_space<vmem_shared>> -> memref<100000xf32, #tpu.memory_space<vmem_shared>>
    %dma_wait3A_256 = arith.constant 0 : i32
    %dma_wait3A_257 = tpu.memref_slice %dma_wait3A_255[%dma_wait3A_256] : memref<100000xf32, #tpu.memory_space<vmem_shared>> -> memref<100000xf32, #tpu.memory_space<vmem_shared>>
    tpu.wait_indirect_dma semaphore(%arg20 : memref<!tpu.dma_semaphore, #tpu.memory_space<semaphore_mem>>) src(%dma_wait3A_257 : memref<100000xf32, #tpu.memory_space<vmem_shared>>) dst(%dma_wait3A_252 : memref<8192xf32, #tpu.memory_space<vmem>>)
    %dma_start3A_258 = arith.constant 0 : i32
    %dma_start3A_259 = arith.constant 0 : i32
    %dma_start3A_260 = arith.constant 0 : i32
    %dma_start3A_261 = tpu.memref_slice %arg14[%dma_start3A_258, %dma_start3A_260] : memref<3x8192xf32, #tpu.memory_space<vmem>> -> memref<1x8192xf32, #tpu.memory_space<vmem>>
    %dma_start3A_262 = tpu.memref_squeeze %dma_start3A_261 : memref<1x8192xf32, #tpu.memory_space<vmem>> -> memref<8192xf32, #tpu.memory_space<vmem>>
    %dma_start3A_263 = tpu.memref_slice %arg6[%dma_start3A_259, %add3A_195] : memref<3x3200000xf32, #tpu.memory_space<hbm>> -> memref<1x8192xf32, #tpu.memory_space<hbm>>
    %dma_start3A_264 = tpu.memref_squeeze %dma_start3A_263 : memref<1x8192xf32, #tpu.memory_space<hbm>> -> memref<8192xf32, #tpu.memory_space<hbm>>
    %dma_start3A_265 = tpu.memref_slice %arg6[%dma_start3A_259, %add3A_195] : memref<3x3200000xf32, #tpu.memory_space<hbm>> -> memref<1x8192xf32, #tpu.memory_space<hbm>>
    %dma_start3A_266 = tpu.memref_squeeze %dma_start3A_265 : memref<1x8192xf32, #tpu.memory_space<hbm>> -> memref<8192xf32, #tpu.memory_space<hbm>>
    %dma_start3A_267 = arith.constant 0 : i32
    %dma_start3A_268 = tpu.memref_slice %arg14[%dma_start3A_258, %dma_start3A_267] : memref<3x8192xf32, #tpu.memory_space<vmem>> -> memref<1x8192xf32, #tpu.memory_space<vmem>>
    %dma_start3A_269 = tpu.memref_squeeze %dma_start3A_268 : memref<1x8192xf32, #tpu.memory_space<vmem>> -> memref<8192xf32, #tpu.memory_space<vmem>>
    tpu.enqueue_dma source(%dma_start3A_269 : memref<8192xf32, #tpu.memory_space<vmem>>) target(%dma_start3A_266 : memref<8192xf32, #tpu.memory_space<hbm>>) target_semaphore(%arg18 : memref<!tpu.dma_semaphore, #tpu.memory_space<semaphore_mem>>)
    %dma_start3A_270 = arith.constant 1 : i32
    %dma_start3A_271 = arith.constant 1 : i32
    %dma_start3A_272 = arith.constant 0 : i32
    %dma_start3A_273 = tpu.memref_slice %arg14[%dma_start3A_270, %dma_start3A_272] : memref<3x8192xf32, #tpu.memory_space<vmem>> -> memref<1x8192xf32, #tpu.memory_space<vmem>>
    %dma_start3A_274 = tpu.memref_squeeze %dma_start3A_273 : memref<1x8192xf32, #tpu.memory_space<vmem>> -> memref<8192xf32, #tpu.memory_space<vmem>>
    %dma_start3A_275 = tpu.memref_slice %arg6[%dma_start3A_271, %add3A_195] : memref<3x3200000xf32, #tpu.memory_space<hbm>> -> memref<1x8192xf32, #tpu.memory_space<hbm>>
    %dma_start3A_276 = tpu.memref_squeeze %dma_start3A_275 : memref<1x8192xf32, #tpu.memory_space<hbm>> -> memref<8192xf32, #tpu.memory_space<hbm>>
    %dma_start3A_277 = tpu.memref_slice %arg6[%dma_start3A_271, %add3A_195] : memref<3x3200000xf32, #tpu.memory_space<hbm>> -> memref<1x8192xf32, #tpu.memory_space<hbm>>
    %dma_start3A_278 = tpu.memref_squeeze %dma_start3A_277 : memref<1x8192xf32, #tpu.memory_space<hbm>> -> memref<8192xf32, #tpu.memory_space<hbm>>
    %dma_start3A_279 = arith.constant 0 : i32
    %dma_start3A_280 = tpu.memref_slice %arg14[%dma_start3A_270, %dma_start3A_279] : memref<3x8192xf32, #tpu.memory_space<vmem>> -> memref<1x8192xf32, #tpu.memory_space<vmem>>
    %dma_start3A_281 = tpu.memref_squeeze %dma_start3A_280 : memref<1x8192xf32, #tpu.memory_space<vmem>> -> memref<8192xf32, #tpu.memory_space<vmem>>
    tpu.enqueue_dma source(%dma_start3A_281 : memref<8192xf32, #tpu.memory_space<vmem>>) target(%dma_start3A_278 : memref<8192xf32, #tpu.memory_space<hbm>>) target_semaphore(%arg18 : memref<!tpu.dma_semaphore, #tpu.memory_space<semaphore_mem>>)
    %dma_start3A_282 = arith.constant 2 : i32
    %dma_start3A_283 = arith.constant 2 : i32
    %dma_start3A_284 = arith.constant 0 : i32
    %dma_start3A_285 = tpu.memref_slice %arg14[%dma_start3A_282, %dma_start3A_284] : memref<3x8192xf32, #tpu.memory_space<vmem>> -> memref<1x8192xf32, #tpu.memory_space<vmem>>
    %dma_start3A_286 = tpu.memref_squeeze %dma_start3A_285 : memref<1x8192xf32, #tpu.memory_space<vmem>> -> memref<8192xf32, #tpu.memory_space<vmem>>
    %dma_start3A_287 = tpu.memref_slice %arg6[%dma_start3A_283, %add3A_195] : memref<3x3200000xf32, #tpu.memory_space<hbm>> -> memref<1x8192xf32, #tpu.memory_space<hbm>>
    %dma_start3A_288 = tpu.memref_squeeze %dma_start3A_287 : memref<1x8192xf32, #tpu.memory_space<hbm>> -> memref<8192xf32, #tpu.memory_space<hbm>>
    %dma_start3A_289 = tpu.memref_slice %arg6[%dma_start3A_283, %add3A_195] : memref<3x3200000xf32, #tpu.memory_space<hbm>> -> memref<1x8192xf32, #tpu.memory_space<hbm>>
    %dma_start3A_290 = tpu.memref_squeeze %dma_start3A_289 : memref<1x8192xf32, #tpu.memory_space<hbm>> -> memref<8192xf32, #tpu.memory_space<hbm>>
    %dma_start3A_291 = arith.constant 0 : i32
    %dma_start3A_292 = tpu.memref_slice %arg14[%dma_start3A_282, %dma_start3A_291] : memref<3x8192xf32, #tpu.memory_space<vmem>> -> memref<1x8192xf32, #tpu.memory_space<vmem>>
    %dma_start3A_293 = tpu.memref_squeeze %dma_start3A_292 : memref<1x8192xf32, #tpu.memory_space<vmem>> -> memref<8192xf32, #tpu.memory_space<vmem>>
    tpu.enqueue_dma source(%dma_start3A_293 : memref<8192xf32, #tpu.memory_space<vmem>>) target(%dma_start3A_290 : memref<8192xf32, #tpu.memory_space<hbm>>) target_semaphore(%arg18 : memref<!tpu.dma_semaphore, #tpu.memory_space<semaphore_mem>>)
    %min3A_294 = arith.constant 3 : i32
    %min3A_295 = arith.constant 12 : i32
    %min3A_296 = arith.minsi %min3A_294, %min3A_295 : i32
    %mul3A_297 = arith.constant 8192 : i32
    %mul3A_298 = arith.muli %min3A_296, %mul3A_297 : i32
    %add3A_299 = arith.addi %min3A_3, %mul3A_298 : i32
    %dma_start3A_300 = tpu.memref_slice %arg5[%add3A_299] : memref<3200000xi32, #tpu.memory_space<hbm>> -> memref<8192xi32, #tpu.memory_space<hbm>>
    %dma_start3A_301 = tpu.memref_slice %arg5[%add3A_299] : memref<3200000xi32, #tpu.memory_space<hbm>> -> memref<8192xi32, #tpu.memory_space<hbm>>
    tpu.enqueue_dma source(%dma_start3A_301 : memref<8192xi32, #tpu.memory_space<hbm>>) target(%arg12 : memref<8192xi32, #tpu.memory_space<vmem>>) target_semaphore(%arg16 : memref<!tpu.dma_semaphore, #tpu.memory_space<semaphore_mem>>)
    %scan3A_302 = arith.constant 0 : i32
    %scan3A_303 = arith.constant 6 : i32
    %scan3A_304 = arith.addi %scan3A_302, %scan3A_303 : i32
    %scan3A_305 = arith.constant 1 : i32
    scf.for %scan3A_383 = %scan3A_302 to %scan3A_304 step %scan3A_305  : i32 {
      %mul3A_384 = arith.constant 1 : i32
      %mul3A_385 = arith.muli %scan3A_383, %mul3A_384 : i32
      %add3A_386 = arith.constant 1 : i32
      %add3A_387 = arith.addi %add3A_386, %mul3A_385 : i32
      %mul3A_388 = arith.constant 2 : i32
      %mul3A_389 = arith.muli %mul3A_388, %add3A_387 : i32
      %min3A_390 = arith.constant 12 : i32
      %min3A_391 = arith.minsi %mul3A_389, %min3A_390 : i32
      %mul3A_392 = arith.constant 8192 : i32
      %mul3A_393 = arith.muli %min3A_391, %mul3A_392 : i32
      %add3A_394 = arith.addi %min3A_3, %mul3A_393 : i32
      %dma_wait3A_395 = tpu.memref_slice %arg5[%add3A_394] : memref<3200000xi32, #tpu.memory_space<hbm>> -> memref<8192xi32, #tpu.memory_space<hbm>>
      %dma_wait3A_396 = tpu.memref_slice %arg5[%add3A_394] : memref<3200000xi32, #tpu.memory_space<hbm>> -> memref<8192xi32, #tpu.memory_space<hbm>>
      tpu.wait_dma2 semaphore(%arg15 : memref<!tpu.dma_semaphore, #tpu.memory_space<semaphore_mem>>) src(%dma_wait3A_396 : memref<8192xi32, #tpu.memory_space<hbm>>) dst(%arg11 : memref<8192xi32, #tpu.memory_space<vmem>>)
      %dma_wait3A_397 = arith.constant 0 : i32
      %dma_wait3A_398 = arith.constant 0 : i32
      %dma_wait3A_399 = arith.constant 0 : i32
      %dma_wait3A_400 = tpu.memref_slice %arg13[%dma_wait3A_397, %dma_wait3A_399] : memref<3x8192xf32, #tpu.memory_space<vmem>> -> memref<1x8192xf32, #tpu.memory_space<vmem>>
      %dma_wait3A_401 = tpu.memref_squeeze %dma_wait3A_400 : memref<1x8192xf32, #tpu.memory_space<vmem>> -> memref<8192xf32, #tpu.memory_space<vmem>>
      %dma_wait3A_402 = tpu.memref_slice %arg6[%dma_wait3A_398, %add3A_394] : memref<3x3200000xf32, #tpu.memory_space<hbm>> -> memref<1x8192xf32, #tpu.memory_space<hbm>>
      %dma_wait3A_403 = tpu.memref_squeeze %dma_wait3A_402 : memref<1x8192xf32, #tpu.memory_space<hbm>> -> memref<8192xf32, #tpu.memory_space<hbm>>
      %dma_wait3A_404 = tpu.memref_slice %arg6[%dma_wait3A_398, %add3A_394] : memref<3x3200000xf32, #tpu.memory_space<hbm>> -> memref<1x8192xf32, #tpu.memory_space<hbm>>
      %dma_wait3A_405 = tpu.memref_squeeze %dma_wait3A_404 : memref<1x8192xf32, #tpu.memory_space<hbm>> -> memref<8192xf32, #tpu.memory_space<hbm>>
      %dma_wait3A_406 = arith.constant 0 : i32
      %dma_wait3A_407 = tpu.memref_slice %arg13[%dma_wait3A_397, %dma_wait3A_406] : memref<3x8192xf32, #tpu.memory_space<vmem>> -> memref<1x8192xf32, #tpu.memory_space<vmem>>
      %dma_wait3A_408 = tpu.memref_squeeze %dma_wait3A_407 : memref<1x8192xf32, #tpu.memory_space<vmem>> -> memref<8192xf32, #tpu.memory_space<vmem>>
      tpu.wait_dma2 semaphore(%arg17 : memref<!tpu.dma_semaphore, #tpu.memory_space<semaphore_mem>>) src(%dma_wait3A_408 : memref<8192xf32, #tpu.memory_space<vmem>>) dst(%dma_wait3A_405 : memref<8192xf32, #tpu.memory_space<hbm>>)
      %dma_wait3A_409 = arith.constant 1 : i32
      %dma_wait3A_410 = arith.constant 1 : i32
      %dma_wait3A_411 = arith.constant 0 : i32
      %dma_wait3A_412 = tpu.memref_slice %arg13[%dma_wait3A_409, %dma_wait3A_411] : memref<3x8192xf32, #tpu.memory_space<vmem>> -> memref<1x8192xf32, #tpu.memory_space<vmem>>
      %dma_wait3A_413 = tpu.memref_squeeze %dma_wait3A_412 : memref<1x8192xf32, #tpu.memory_space<vmem>> -> memref<8192xf32, #tpu.memory_space<vmem>>
      %dma_wait3A_414 = tpu.memref_slice %arg6[%dma_wait3A_410, %add3A_394] : memref<3x3200000xf32, #tpu.memory_space<hbm>> -> memref<1x8192xf32, #tpu.memory_space<hbm>>
      %dma_wait3A_415 = tpu.memref_squeeze %dma_wait3A_414 : memref<1x8192xf32, #tpu.memory_space<hbm>> -> memref<8192xf32, #tpu.memory_space<hbm>>
      %dma_wait3A_416 = tpu.memref_slice %arg6[%dma_wait3A_410, %add3A_394] : memref<3x3200000xf32, #tpu.memory_space<hbm>> -> memref<1x8192xf32, #tpu.memory_space<hbm>>
      %dma_wait3A_417 = tpu.memref_squeeze %dma_wait3A_416 : memref<1x8192xf32, #tpu.memory_space<hbm>> -> memref<8192xf32, #tpu.memory_space<hbm>>
      %dma_wait3A_418 = arith.constant 0 : i32
      %dma_wait3A_419 = tpu.memref_slice %arg13[%dma_wait3A_409, %dma_wait3A_418] : memref<3x8192xf32, #tpu.memory_space<vmem>> -> memref<1x8192xf32, #tpu.memory_space<vmem>>
      %dma_wait3A_420 = tpu.memref_squeeze %dma_wait3A_419 : memref<1x8192xf32, #tpu.memory_space<vmem>> -> memref<8192xf32, #tpu.memory_space<vmem>>
      tpu.wait_dma2 semaphore(%arg17 : memref<!tpu.dma_semaphore, #tpu.memory_space<semaphore_mem>>) src(%dma_wait3A_420 : memref<8192xf32, #tpu.memory_space<vmem>>) dst(%dma_wait3A_417 : memref<8192xf32, #tpu.memory_space<hbm>>)
      %dma_wait3A_421 = arith.constant 2 : i32
      %dma_wait3A_422 = arith.constant 2 : i32
      %dma_wait3A_423 = arith.constant 0 : i32
      %dma_wait3A_424 = tpu.memref_slice %arg13[%dma_wait3A_421, %dma_wait3A_423] : memref<3x8192xf32, #tpu.memory_space<vmem>> -> memref<1x8192xf32, #tpu.memory_space<vmem>>
      %dma_wait3A_425 = tpu.memref_squeeze %dma_wait3A_424 : memref<1x8192xf32, #tpu.memory_space<vmem>> -> memref<8192xf32, #tpu.memory_space<vmem>>
      %dma_wait3A_426 = tpu.memref_slice %arg6[%dma_wait3A_422, %add3A_394] : memref<3x3200000xf32, #tpu.memory_space<hbm>> -> memref<1x8192xf32, #tpu.memory_space<hbm>>
      %dma_wait3A_427 = tpu.memref_squeeze %dma_wait3A_426 : memref<1x8192xf32, #tpu.memory_space<hbm>> -> memref<8192xf32, #tpu.memory_space<hbm>>
      %dma_wait3A_428 = tpu.memref_slice %arg6[%dma_wait3A_422, %add3A_394] : memref<3x3200000xf32, #tpu.memory_space<hbm>> -> memref<1x8192xf32, #tpu.memory_space<hbm>>
      %dma_wait3A_429 = tpu.memref_squeeze %dma_wait3A_428 : memref<1x8192xf32, #tpu.memory_space<hbm>> -> memref<8192xf32, #tpu.memory_space<hbm>>
      %dma_wait3A_430 = arith.constant 0 : i32
      %dma_wait3A_431 = tpu.memref_slice %arg13[%dma_wait3A_421, %dma_wait3A_430] : memref<3x8192xf32, #tpu.memory_space<vmem>> -> memref<1x8192xf32, #tpu.memory_space<vmem>>
      %dma_wait3A_432 = tpu.memref_squeeze %dma_wait3A_431 : memref<1x8192xf32, #tpu.memory_space<vmem>> -> memref<8192xf32, #tpu.memory_space<vmem>>
      tpu.wait_dma2 semaphore(%arg17 : memref<!tpu.dma_semaphore, #tpu.memory_space<semaphore_mem>>) src(%dma_wait3A_432 : memref<8192xf32, #tpu.memory_space<vmem>>) dst(%dma_wait3A_429 : memref<8192xf32, #tpu.memory_space<hbm>>)
      %dma_start3A_433 = arith.constant 0 : i32
      %dma_start3A_434 = arith.constant 0 : i32
      %dma_start3A_435 = arith.constant 0 : i32
      %dma_start3A_436 = tpu.memref_slice %arg13[%dma_start3A_434, %dma_start3A_435] : memref<3x8192xf32, #tpu.memory_space<vmem>> -> memref<1x8192xf32, #tpu.memory_space<vmem>>
      %dma_start3A_437 = tpu.memref_squeeze %dma_start3A_436 : memref<1x8192xf32, #tpu.memory_space<vmem>> -> memref<8192xf32, #tpu.memory_space<vmem>>
      %dma_start3A_438 = arith.constant 0 : i32
      %dma_start3A_439 = tpu.memref_slice %arg7[%dma_start3A_433, %dma_start3A_438] : memref<3x100000xf32, #tpu.memory_space<vmem_shared>> -> memref<1x100000xf32, #tpu.memory_space<vmem_shared>>
      %dma_start3A_440 = tpu.memref_squeeze %dma_start3A_439 : memref<1x100000xf32, #tpu.memory_space<vmem_shared>> -> memref<100000xf32, #tpu.memory_space<vmem_shared>>
      %dma_start3A_441 = arith.constant 0 : i32
      %dma_start3A_442 = tpu.memref_slice %dma_start3A_440[%dma_start3A_441] : memref<100000xf32, #tpu.memory_space<vmem_shared>> -> memref<100000xf32, #tpu.memory_space<vmem_shared>>
      tpu.enqueue_indirect_dma source(%dma_start3A_442 : memref<100000xf32, #tpu.memory_space<vmem_shared>>) target(%dma_start3A_437 : memref<8192xf32, #tpu.memory_space<vmem>>) offsets(%arg11 : memref<8192xi32, #tpu.memory_space<vmem>>) semaphore(%arg19 : memref<!tpu.dma_semaphore, #tpu.memory_space<semaphore_mem>>)
      %dma_start3A_443 = arith.constant 1 : i32
      %dma_start3A_444 = arith.constant 1 : i32
      %dma_start3A_445 = arith.constant 0 : i32
      %dma_start3A_446 = tpu.memref_slice %arg13[%dma_start3A_444, %dma_start3A_445] : memref<3x8192xf32, #tpu.memory_space<vmem>> -> memref<1x8192xf32, #tpu.memory_space<vmem>>
      %dma_start3A_447 = tpu.memref_squeeze %dma_start3A_446 : memref<1x8192xf32, #tpu.memory_space<vmem>> -> memref<8192xf32, #tpu.memory_space<vmem>>
      %dma_start3A_448 = arith.constant 0 : i32
      %dma_start3A_449 = tpu.memref_slice %arg7[%dma_start3A_443, %dma_start3A_448] : memref<3x100000xf32, #tpu.memory_space<vmem_shared>> -> memref<1x100000xf32, #tpu.memory_space<vmem_shared>>
      %dma_start3A_450 = tpu.memref_squeeze %dma_start3A_449 : memref<1x100000xf32, #tpu.memory_space<vmem_shared>> -> memref<100000xf32, #tpu.memory_space<vmem_shared>>
      %dma_start3A_451 = arith.constant 0 : i32
      %dma_start3A_452 = tpu.memref_slice %dma_start3A_450[%dma_start3A_451] : memref<100000xf32, #tpu.memory_space<vmem_shared>> -> memref<100000xf32, #tpu.memory_space<vmem_shared>>
      tpu.enqueue_indirect_dma source(%dma_start3A_452 : memref<100000xf32, #tpu.memory_space<vmem_shared>>) target(%dma_start3A_447 : memref<8192xf32, #tpu.memory_space<vmem>>) offsets(%arg11 : memref<8192xi32, #tpu.memory_space<vmem>>) semaphore(%arg19 : memref<!tpu.dma_semaphore, #tpu.memory_space<semaphore_mem>>)
      %dma_start3A_453 = arith.constant 2 : i32
      %dma_start3A_454 = arith.constant 2 : i32
      %dma_start3A_455 = arith.constant 0 : i32
      %dma_start3A_456 = tpu.memref_slice %arg13[%dma_start3A_454, %dma_start3A_455] : memref<3x8192xf32, #tpu.memory_space<vmem>> -> memref<1x8192xf32, #tpu.memory_space<vmem>>
      %dma_start3A_457 = tpu.memref_squeeze %dma_start3A_456 : memref<1x8192xf32, #tpu.memory_space<vmem>> -> memref<8192xf32, #tpu.memory_space<vmem>>
      %dma_start3A_458 = arith.constant 0 : i32
      %dma_start3A_459 = tpu.memref_slice %arg7[%dma_start3A_453, %dma_start3A_458] : memref<3x100000xf32, #tpu.memory_space<vmem_shared>> -> memref<1x100000xf32, #tpu.memory_space<vmem_shared>>
      %dma_start3A_460 = tpu.memref_squeeze %dma_start3A_459 : memref<1x100000xf32, #tpu.memory_space<vmem_shared>> -> memref<100000xf32, #tpu.memory_space<vmem_shared>>
      %dma_start3A_461 = arith.constant 0 : i32
      %dma_start3A_462 = tpu.memref_slice %dma_start3A_460[%dma_start3A_461] : memref<100000xf32, #tpu.memory_space<vmem_shared>> -> memref<100000xf32, #tpu.memory_space<vmem_shared>>
      tpu.enqueue_indirect_dma source(%dma_start3A_462 : memref<100000xf32, #tpu.memory_space<vmem_shared>>) target(%dma_start3A_457 : memref<8192xf32, #tpu.memory_space<vmem>>) offsets(%arg11 : memref<8192xi32, #tpu.memory_space<vmem>>) semaphore(%arg19 : memref<!tpu.dma_semaphore, #tpu.memory_space<semaphore_mem>>)
      %dma_wait3A_463 = arith.constant 0 : i32
      %dma_wait3A_464 = arith.constant 0 : i32
      %dma_wait3A_465 = arith.constant 0 : i32
      %dma_wait3A_466 = tpu.memref_slice %arg13[%dma_wait3A_464, %dma_wait3A_465] : memref<3x8192xf32, #tpu.memory_space<vmem>> -> memref<1x8192xf32, #tpu.memory_space<vmem>>
      %dma_wait3A_467 = tpu.memref_squeeze %dma_wait3A_466 : memref<1x8192xf32, #tpu.memory_space<vmem>> -> memref<8192xf32, #tpu.memory_space<vmem>>
      %dma_wait3A_468 = arith.constant 0 : i32
      %dma_wait3A_469 = tpu.memref_slice %arg7[%dma_wait3A_463, %dma_wait3A_468] : memref<3x100000xf32, #tpu.memory_space<vmem_shared>> -> memref<1x100000xf32, #tpu.memory_space<vmem_shared>>
      %dma_wait3A_470 = tpu.memref_squeeze %dma_wait3A_469 : memref<1x100000xf32, #tpu.memory_space<vmem_shared>> -> memref<100000xf32, #tpu.memory_space<vmem_shared>>
      %dma_wait3A_471 = arith.constant 0 : i32
      %dma_wait3A_472 = tpu.memref_slice %dma_wait3A_470[%dma_wait3A_471] : memref<100000xf32, #tpu.memory_space<vmem_shared>> -> memref<100000xf32, #tpu.memory_space<vmem_shared>>
      tpu.wait_indirect_dma semaphore(%arg19 : memref<!tpu.dma_semaphore, #tpu.memory_space<semaphore_mem>>) src(%dma_wait3A_472 : memref<100000xf32, #tpu.memory_space<vmem_shared>>) dst(%dma_wait3A_467 : memref<8192xf32, #tpu.memory_space<vmem>>)
      %dma_wait3A_473 = arith.constant 1 : i32
      %dma_wait3A_474 = arith.constant 1 : i32
      %dma_wait3A_475 = arith.constant 0 : i32
      %dma_wait3A_476 = tpu.memref_slice %arg13[%dma_wait3A_474, %dma_wait3A_475] : memref<3x8192xf32, #tpu.memory_space<vmem>> -> memref<1x8192xf32, #tpu.memory_space<vmem>>
      %dma_wait3A_477 = tpu.memref_squeeze %dma_wait3A_476 : memref<1x8192xf32, #tpu.memory_space<vmem>> -> memref<8192xf32, #tpu.memory_space<vmem>>
      %dma_wait3A_478 = arith.constant 0 : i32
      %dma_wait3A_479 = tpu.memref_slice %arg7[%dma_wait3A_473, %dma_wait3A_478] : memref<3x100000xf32, #tpu.memory_space<vmem_shared>> -> memref<1x100000xf32, #tpu.memory_space<vmem_shared>>
      %dma_wait3A_480 = tpu.memref_squeeze %dma_wait3A_479 : memref<1x100000xf32, #tpu.memory_space<vmem_shared>> -> memref<100000xf32, #tpu.memory_space<vmem_shared>>
      %dma_wait3A_481 = arith.constant 0 : i32
      %dma_wait3A_482 = tpu.memref_slice %dma_wait3A_480[%dma_wait3A_481] : memref<100000xf32, #tpu.memory_space<vmem_shared>> -> memref<100000xf32, #tpu.memory_space<vmem_shared>>
      tpu.wait_indirect_dma semaphore(%arg19 : memref<!tpu.dma_semaphore, #tpu.memory_space<semaphore_mem>>) src(%dma_wait3A_482 : memref<100000xf32, #tpu.memory_space<vmem_shared>>) dst(%dma_wait3A_477 : memref<8192xf32, #tpu.memory_space<vmem>>)
      %dma_wait3A_483 = arith.constant 2 : i32
      %dma_wait3A_484 = arith.constant 2 : i32
      %dma_wait3A_485 = arith.constant 0 : i32
      %dma_wait3A_486 = tpu.memref_slice %arg13[%dma_wait3A_484, %dma_wait3A_485] : memref<3x8192xf32, #tpu.memory_space<vmem>> -> memref<1x8192xf32, #tpu.memory_space<vmem>>
      %dma_wait3A_487 = tpu.memref_squeeze %dma_wait3A_486 : memref<1x8192xf32, #tpu.memory_space<vmem>> -> memref<8192xf32, #tpu.memory_space<vmem>>
      %dma_wait3A_488 = arith.constant 0 : i32
      %dma_wait3A_489 = tpu.memref_slice %arg7[%dma_wait3A_483, %dma_wait3A_488] : memref<3x100000xf32, #tpu.memory_space<vmem_shared>> -> memref<1x100000xf32, #tpu.memory_space<vmem_shared>>
      %dma_wait3A_490 = tpu.memref_squeeze %dma_wait3A_489 : memref<1x100000xf32, #tpu.memory_space<vmem_shared>> -> memref<100000xf32, #tpu.memory_space<vmem_shared>>
      %dma_wait3A_491 = arith.constant 0 : i32
      %dma_wait3A_492 = tpu.memref_slice %dma_wait3A_490[%dma_wait3A_491] : memref<100000xf32, #tpu.memory_space<vmem_shared>> -> memref<100000xf32, #tpu.memory_space<vmem_shared>>
      tpu.wait_indirect_dma semaphore(%arg19 : memref<!tpu.dma_semaphore, #tpu.memory_space<semaphore_mem>>) src(%dma_wait3A_492 : memref<100000xf32, #tpu.memory_space<vmem_shared>>) dst(%dma_wait3A_487 : memref<8192xf32, #tpu.memory_space<vmem>>)
      %dma_start3A_493 = arith.constant 0 : i32
      %dma_start3A_494 = arith.constant 0 : i32
      %dma_start3A_495 = arith.constant 0 : i32
      %dma_start3A_496 = tpu.memref_slice %arg13[%dma_start3A_493, %dma_start3A_495] : memref<3x8192xf32, #tpu.memory_space<vmem>> -> memref<1x8192xf32, #tpu.memory_space<vmem>>
      %dma_start3A_497 = tpu.memref_squeeze %dma_start3A_496 : memref<1x8192xf32, #tpu.memory_space<vmem>> -> memref<8192xf32, #tpu.memory_space<vmem>>
      %dma_start3A_498 = tpu.memref_slice %arg6[%dma_start3A_494, %add3A_394] : memref<3x3200000xf32, #tpu.memory_space<hbm>> -> memref<1x8192xf32, #tpu.memory_space<hbm>>
      %dma_start3A_499 = tpu.memref_squeeze %dma_start3A_498 : memref<1x8192xf32, #tpu.memory_space<hbm>> -> memref<8192xf32, #tpu.memory_space<hbm>>
      %dma_start3A_500 = tpu.memref_slice %arg6[%dma_start3A_494, %add3A_394] : memref<3x3200000xf32, #tpu.memory_space<hbm>> -> memref<1x8192xf32, #tpu.memory_space<hbm>>
      %dma_start3A_501 = tpu.memref_squeeze %dma_start3A_500 : memref<1x8192xf32, #tpu.memory_space<hbm>> -> memref<8192xf32, #tpu.memory_space<hbm>>
      %dma_start3A_502 = arith.constant 0 : i32
      %dma_start3A_503 = tpu.memref_slice %arg13[%dma_start3A_493, %dma_start3A_502] : memref<3x8192xf32, #tpu.memory_space<vmem>> -> memref<1x8192xf32, #tpu.memory_space<vmem>>
      %dma_start3A_504 = tpu.memref_squeeze %dma_start3A_503 : memref<1x8192xf32, #tpu.memory_space<vmem>> -> memref<8192xf32, #tpu.memory_space<vmem>>
      tpu.enqueue_dma source(%dma_start3A_504 : memref<8192xf32, #tpu.memory_space<vmem>>) target(%dma_start3A_501 : memref<8192xf32, #tpu.memory_space<hbm>>) target_semaphore(%arg17 : memref<!tpu.dma_semaphore, #tpu.memory_space<semaphore_mem>>)
      %dma_start3A_505 = arith.constant 1 : i32
      %dma_start3A_506 = arith.constant 1 : i32
      %dma_start3A_507 = arith.constant 0 : i32
      %dma_start3A_508 = tpu.memref_slice %arg13[%dma_start3A_505, %dma_start3A_507] : memref<3x8192xf32, #tpu.memory_space<vmem>> -> memref<1x8192xf32, #tpu.memory_space<vmem>>
      %dma_start3A_509 = tpu.memref_squeeze %dma_start3A_508 : memref<1x8192xf32, #tpu.memory_space<vmem>> -> memref<8192xf32, #tpu.memory_space<vmem>>
      %dma_start3A_510 = tpu.memref_slice %arg6[%dma_start3A_506, %add3A_394] : memref<3x3200000xf32, #tpu.memory_space<hbm>> -> memref<1x8192xf32, #tpu.memory_space<hbm>>
      %dma_start3A_511 = tpu.memref_squeeze %dma_start3A_510 : memref<1x8192xf32, #tpu.memory_space<hbm>> -> memref<8192xf32, #tpu.memory_space<hbm>>
      %dma_start3A_512 = tpu.memref_slice %arg6[%dma_start3A_506, %add3A_394] : memref<3x3200000xf32, #tpu.memory_space<hbm>> -> memref<1x8192xf32, #tpu.memory_space<hbm>>
      %dma_start3A_513 = tpu.memref_squeeze %dma_start3A_512 : memref<1x8192xf32, #tpu.memory_space<hbm>> -> memref<8192xf32, #tpu.memory_space<hbm>>
      %dma_start3A_514 = arith.constant 0 : i32
      %dma_start3A_515 = tpu.memref_slice %arg13[%dma_start3A_505, %dma_start3A_514] : memref<3x8192xf32, #tpu.memory_space<vmem>> -> memref<1x8192xf32, #tpu.memory_space<vmem>>
      %dma_start3A_516 = tpu.memref_squeeze %dma_start3A_515 : memref<1x8192xf32, #tpu.memory_space<vmem>> -> memref<8192xf32, #tpu.memory_space<vmem>>
      tpu.enqueue_dma source(%dma_start3A_516 : memref<8192xf32, #tpu.memory_space<vmem>>) target(%dma_start3A_513 : memref<8192xf32, #tpu.memory_space<hbm>>) target_semaphore(%arg17 : memref<!tpu.dma_semaphore, #tpu.memory_space<semaphore_mem>>)
      %dma_start3A_517 = arith.constant 2 : i32
      %dma_start3A_518 = arith.constant 2 : i32
      %dma_start3A_519 = arith.constant 0 : i32
      %dma_start3A_520 = tpu.memref_slice %arg13[%dma_start3A_517, %dma_start3A_519] : memref<3x8192xf32, #tpu.memory_space<vmem>> -> memref<1x8192xf32, #tpu.memory_space<vmem>>
      %dma_start3A_521 = tpu.memref_squeeze %dma_start3A_520 : memref<1x8192xf32, #tpu.memory_space<vmem>> -> memref<8192xf32, #tpu.memory_space<vmem>>
      %dma_start3A_522 = tpu.memref_slice %arg6[%dma_start3A_518, %add3A_394] : memref<3x3200000xf32, #tpu.memory_space<hbm>> -> memref<1x8192xf32, #tpu.memory_space<hbm>>
      %dma_start3A_523 = tpu.memref_squeeze %dma_start3A_522 : memref<1x8192xf32, #tpu.memory_space<hbm>> -> memref<8192xf32, #tpu.memory_space<hbm>>
      %dma_start3A_524 = tpu.memref_slice %arg6[%dma_start3A_518, %add3A_394] : memref<3x3200000xf32, #tpu.memory_space<hbm>> -> memref<1x8192xf32, #tpu.memory_space<hbm>>
      %dma_start3A_525 = tpu.memref_squeeze %dma_start3A_524 : memref<1x8192xf32, #tpu.memory_space<hbm>> -> memref<8192xf32, #tpu.memory_space<hbm>>
      %dma_start3A_526 = arith.constant 0 : i32
      %dma_start3A_527 = tpu.memref_slice %arg13[%dma_start3A_517, %dma_start3A_526] : memref<3x8192xf32, #tpu.memory_space<vmem>> -> memref<1x8192xf32, #tpu.memory_space<vmem>>
      %dma_start3A_528 = tpu.memref_squeeze %dma_start3A_527 : memref<1x8192xf32, #tpu.memory_space<vmem>> -> memref<8192xf32, #tpu.memory_space<vmem>>
      tpu.enqueue_dma source(%dma_start3A_528 : memref<8192xf32, #tpu.memory_space<vmem>>) target(%dma_start3A_525 : memref<8192xf32, #tpu.memory_space<hbm>>) target_semaphore(%arg17 : memref<!tpu.dma_semaphore, #tpu.memory_space<semaphore_mem>>)
      %add3A_529 = arith.constant 2 : i32
      %add3A_530 = arith.addi %mul3A_389, %add3A_529 : i32
      %min3A_531 = arith.constant 12 : i32
      %min3A_532 = arith.minsi %add3A_530, %min3A_531 : i32
      %mul3A_533 = arith.constant 8192 : i32
      %mul3A_534 = arith.muli %min3A_532, %mul3A_533 : i32
      %add3A_535 = arith.addi %min3A_3, %mul3A_534 : i32
      %dma_start3A_536 = tpu.memref_slice %arg5[%add3A_535] : memref<3200000xi32, #tpu.memory_space<hbm>> -> memref<8192xi32, #tpu.memory_space<hbm>>
      %dma_start3A_537 = tpu.memref_slice %arg5[%add3A_535] : memref<3200000xi32, #tpu.memory_space<hbm>> -> memref<8192xi32, #tpu.memory_space<hbm>>
      tpu.enqueue_dma source(%dma_start3A_537 : memref<8192xi32, #tpu.memory_space<hbm>>) target(%arg11 : memref<8192xi32, #tpu.memory_space<vmem>>) target_semaphore(%arg15 : memref<!tpu.dma_semaphore, #tpu.memory_space<semaphore_mem>>)
      %mul3A_538 = arith.constant 2 : i32
      %mul3A_539 = arith.muli %mul3A_538, %add3A_387 : i32
      %add3A_540 = arith.constant 1 : i32
      %add3A_541 = arith.addi %mul3A_539, %add3A_540 : i32
      %min3A_542 = arith.constant 12 : i32
      %min3A_543 = arith.minsi %add3A_541, %min3A_542 : i32
      %mul3A_544 = arith.constant 8192 : i32
      %mul3A_545 = arith.muli %min3A_543, %mul3A_544 : i32
      %add3A_546 = arith.addi %min3A_3, %mul3A_545 : i32
      %dma_wait3A_547 = tpu.memref_slice %arg5[%add3A_546] : memref<3200000xi32, #tpu.memory_space<hbm>> -> memref<8192xi32, #tpu.memory_space<hbm>>
      %dma_wait3A_548 = tpu.memref_slice %arg5[%add3A_546] : memref<3200000xi32, #tpu.memory_space<hbm>> -> memref<8192xi32, #tpu.memory_space<hbm>>
      tpu.wait_dma2 semaphore(%arg16 : memref<!tpu.dma_semaphore, #tpu.memory_space<semaphore_mem>>) src(%dma_wait3A_548 : memref<8192xi32, #tpu.memory_space<hbm>>) dst(%arg12 : memref<8192xi32, #tpu.memory_space<vmem>>)
      %dma_wait3A_549 = arith.constant 0 : i32
      %dma_wait3A_550 = arith.constant 0 : i32
      %dma_wait3A_551 = arith.constant 0 : i32
      %dma_wait3A_552 = tpu.memref_slice %arg14[%dma_wait3A_549, %dma_wait3A_551] : memref<3x8192xf32, #tpu.memory_space<vmem>> -> memref<1x8192xf32, #tpu.memory_space<vmem>>
      %dma_wait3A_553 = tpu.memref_squeeze %dma_wait3A_552 : memref<1x8192xf32, #tpu.memory_space<vmem>> -> memref<8192xf32, #tpu.memory_space<vmem>>
      %dma_wait3A_554 = tpu.memref_slice %arg6[%dma_wait3A_550, %add3A_546] : memref<3x3200000xf32, #tpu.memory_space<hbm>> -> memref<1x8192xf32, #tpu.memory_space<hbm>>
      %dma_wait3A_555 = tpu.memref_squeeze %dma_wait3A_554 : memref<1x8192xf32, #tpu.memory_space<hbm>> -> memref<8192xf32, #tpu.memory_space<hbm>>
      %dma_wait3A_556 = tpu.memref_slice %arg6[%dma_wait3A_550, %add3A_546] : memref<3x3200000xf32, #tpu.memory_space<hbm>> -> memref<1x8192xf32, #tpu.memory_space<hbm>>
      %dma_wait3A_557 = tpu.memref_squeeze %dma_wait3A_556 : memref<1x8192xf32, #tpu.memory_space<hbm>> -> memref<8192xf32, #tpu.memory_space<hbm>>
      %dma_wait3A_558 = arith.constant 0 : i32
      %dma_wait3A_559 = tpu.memref_slice %arg14[%dma_wait3A_549, %dma_wait3A_558] : memref<3x8192xf32, #tpu.memory_space<vmem>> -> memref<1x8192xf32, #tpu.memory_space<vmem>>
      %dma_wait3A_560 = tpu.memref_squeeze %dma_wait3A_559 : memref<1x8192xf32, #tpu.memory_space<vmem>> -> memref<8192xf32, #tpu.memory_space<vmem>>
      tpu.wait_dma2 semaphore(%arg18 : memref<!tpu.dma_semaphore, #tpu.memory_space<semaphore_mem>>) src(%dma_wait3A_560 : memref<8192xf32, #tpu.memory_space<vmem>>) dst(%dma_wait3A_557 : memref<8192xf32, #tpu.memory_space<hbm>>)
      %dma_wait3A_561 = arith.constant 1 : i32
      %dma_wait3A_562 = arith.constant 1 : i32
      %dma_wait3A_563 = arith.constant 0 : i32
      %dma_wait3A_564 = tpu.memref_slice %arg14[%dma_wait3A_561, %dma_wait3A_563] : memref<3x8192xf32, #tpu.memory_space<vmem>> -> memref<1x8192xf32, #tpu.memory_space<vmem>>
      %dma_wait3A_565 = tpu.memref_squeeze %dma_wait3A_564 : memref<1x8192xf32, #tpu.memory_space<vmem>> -> memref<8192xf32, #tpu.memory_space<vmem>>
      %dma_wait3A_566 = tpu.memref_slice %arg6[%dma_wait3A_562, %add3A_546] : memref<3x3200000xf32, #tpu.memory_space<hbm>> -> memref<1x8192xf32, #tpu.memory_space<hbm>>
      %dma_wait3A_567 = tpu.memref_squeeze %dma_wait3A_566 : memref<1x8192xf32, #tpu.memory_space<hbm>> -> memref<8192xf32, #tpu.memory_space<hbm>>
      %dma_wait3A_568 = tpu.memref_slice %arg6[%dma_wait3A_562, %add3A_546] : memref<3x3200000xf32, #tpu.memory_space<hbm>> -> memref<1x8192xf32, #tpu.memory_space<hbm>>
      %dma_wait3A_569 = tpu.memref_squeeze %dma_wait3A_568 : memref<1x8192xf32, #tpu.memory_space<hbm>> -> memref<8192xf32, #tpu.memory_space<hbm>>
      %dma_wait3A_570 = arith.constant 0 : i32
      %dma_wait3A_571 = tpu.memref_slice %arg14[%dma_wait3A_561, %dma_wait3A_570] : memref<3x8192xf32, #tpu.memory_space<vmem>> -> memref<1x8192xf32, #tpu.memory_space<vmem>>
      %dma_wait3A_572 = tpu.memref_squeeze %dma_wait3A_571 : memref<1x8192xf32, #tpu.memory_space<vmem>> -> memref<8192xf32, #tpu.memory_space<vmem>>
      tpu.wait_dma2 semaphore(%arg18 : memref<!tpu.dma_semaphore, #tpu.memory_space<semaphore_mem>>) src(%dma_wait3A_572 : memref<8192xf32, #tpu.memory_space<vmem>>) dst(%dma_wait3A_569 : memref<8192xf32, #tpu.memory_space<hbm>>)
      %dma_wait3A_573 = arith.constant 2 : i32
      %dma_wait3A_574 = arith.constant 2 : i32
      %dma_wait3A_575 = arith.constant 0 : i32
      %dma_wait3A_576 = tpu.memref_slice %arg14[%dma_wait3A_573, %dma_wait3A_575] : memref<3x8192xf32, #tpu.memory_space<vmem>> -> memref<1x8192xf32, #tpu.memory_space<vmem>>
      %dma_wait3A_577 = tpu.memref_squeeze %dma_wait3A_576 : memref<1x8192xf32, #tpu.memory_space<vmem>> -> memref<8192xf32, #tpu.memory_space<vmem>>
      %dma_wait3A_578 = tpu.memref_slice %arg6[%dma_wait3A_574, %add3A_546] : memref<3x3200000xf32, #tpu.memory_space<hbm>> -> memref<1x8192xf32, #tpu.memory_space<hbm>>
      %dma_wait3A_579 = tpu.memref_squeeze %dma_wait3A_578 : memref<1x8192xf32, #tpu.memory_space<hbm>> -> memref<8192xf32, #tpu.memory_space<hbm>>
      %dma_wait3A_580 = tpu.memref_slice %arg6[%dma_wait3A_574, %add3A_546] : memref<3x3200000xf32, #tpu.memory_space<hbm>> -> memref<1x8192xf32, #tpu.memory_space<hbm>>
      %dma_wait3A_581 = tpu.memref_squeeze %dma_wait3A_580 : memref<1x8192xf32, #tpu.memory_space<hbm>> -> memref<8192xf32, #tpu.memory_space<hbm>>
      %dma_wait3A_582 = arith.constant 0 : i32
      %dma_wait3A_583 = tpu.memref_slice %arg14[%dma_wait3A_573, %dma_wait3A_582] : memref<3x8192xf32, #tpu.memory_space<vmem>> -> memref<1x8192xf32, #tpu.memory_space<vmem>>
      %dma_wait3A_584 = tpu.memref_squeeze %dma_wait3A_583 : memref<1x8192xf32, #tpu.memory_space<vmem>> -> memref<8192xf32, #tpu.memory_space<vmem>>
      tpu.wait_dma2 semaphore(%arg18 : memref<!tpu.dma_semaphore, #tpu.memory_space<semaphore_mem>>) src(%dma_wait3A_584 : memref<8192xf32, #tpu.memory_space<vmem>>) dst(%dma_wait3A_581 : memref<8192xf32, #tpu.memory_space<hbm>>)
      %dma_start3A_585 = arith.constant 0 : i32
      %dma_start3A_586 = arith.constant 0 : i32
      %dma_start3A_587 = arith.constant 0 : i32
      %dma_start3A_588 = tpu.memref_slice %arg14[%dma_start3A_586, %dma_start3A_587] : memref<3x8192xf32, #tpu.memory_space<vmem>> -> memref<1x8192xf32, #tpu.memory_space<vmem>>
      %dma_start3A_589 = tpu.memref_squeeze %dma_start3A_588 : memref<1x8192xf32, #tpu.memory_space<vmem>> -> memref<8192xf32, #tpu.memory_space<vmem>>
      %dma_start3A_590 = arith.constant 0 : i32
      %dma_start3A_591 = tpu.memref_slice %arg7[%dma_start3A_585, %dma_start3A_590] : memref<3x100000xf32, #tpu.memory_space<vmem_shared>> -> memref<1x100000xf32, #tpu.memory_space<vmem_shared>>
      %dma_start3A_592 = tpu.memref_squeeze %dma_start3A_591 : memref<1x100000xf32, #tpu.memory_space<vmem_shared>> -> memref<100000xf32, #tpu.memory_space<vmem_shared>>
      %dma_start3A_593 = arith.constant 0 : i32
      %dma_start3A_594 = tpu.memref_slice %dma_start3A_592[%dma_start3A_593] : memref<100000xf32, #tpu.memory_space<vmem_shared>> -> memref<100000xf32, #tpu.memory_space<vmem_shared>>
      tpu.enqueue_indirect_dma source(%dma_start3A_594 : memref<100000xf32, #tpu.memory_space<vmem_shared>>) target(%dma_start3A_589 : memref<8192xf32, #tpu.memory_space<vmem>>) offsets(%arg12 : memref<8192xi32, #tpu.memory_space<vmem>>) semaphore(%arg20 : memref<!tpu.dma_semaphore, #tpu.memory_space<semaphore_mem>>)
      %dma_start3A_595 = arith.constant 1 : i32
      %dma_start3A_596 = arith.constant 1 : i32
      %dma_start3A_597 = arith.constant 0 : i32
      %dma_start3A_598 = tpu.memref_slice %arg14[%dma_start3A_596, %dma_start3A_597] : memref<3x8192xf32, #tpu.memory_space<vmem>> -> memref<1x8192xf32, #tpu.memory_space<vmem>>
      %dma_start3A_599 = tpu.memref_squeeze %dma_start3A_598 : memref<1x8192xf32, #tpu.memory_space<vmem>> -> memref<8192xf32, #tpu.memory_space<vmem>>
      %dma_start3A_600 = arith.constant 0 : i32
      %dma_start3A_601 = tpu.memref_slice %arg7[%dma_start3A_595, %dma_start3A_600] : memref<3x100000xf32, #tpu.memory_space<vmem_shared>> -> memref<1x100000xf32, #tpu.memory_space<vmem_shared>>
      %dma_start3A_602 = tpu.memref_squeeze %dma_start3A_601 : memref<1x100000xf32, #tpu.memory_space<vmem_shared>> -> memref<100000xf32, #tpu.memory_space<vmem_shared>>
      %dma_start3A_603 = arith.constant 0 : i32
      %dma_start3A_604 = tpu.memref_slice %dma_start3A_602[%dma_start3A_603] : memref<100000xf32, #tpu.memory_space<vmem_shared>> -> memref<100000xf32, #tpu.memory_space<vmem_shared>>
      tpu.enqueue_indirect_dma source(%dma_start3A_604 : memref<100000xf32, #tpu.memory_space<vmem_shared>>) target(%dma_start3A_599 : memref<8192xf32, #tpu.memory_space<vmem>>) offsets(%arg12 : memref<8192xi32, #tpu.memory_space<vmem>>) semaphore(%arg20 : memref<!tpu.dma_semaphore, #tpu.memory_space<semaphore_mem>>)
      %dma_start3A_605 = arith.constant 2 : i32
      %dma_start3A_606 = arith.constant 2 : i32
      %dma_start3A_607 = arith.constant 0 : i32
      %dma_start3A_608 = tpu.memref_slice %arg14[%dma_start3A_606, %dma_start3A_607] : memref<3x8192xf32, #tpu.memory_space<vmem>> -> memref<1x8192xf32, #tpu.memory_space<vmem>>
      %dma_start3A_609 = tpu.memref_squeeze %dma_start3A_608 : memref<1x8192xf32, #tpu.memory_space<vmem>> -> memref<8192xf32, #tpu.memory_space<vmem>>
      %dma_start3A_610 = arith.constant 0 : i32
      %dma_start3A_611 = tpu.memref_slice %arg7[%dma_start3A_605, %dma_start3A_610] : memref<3x100000xf32, #tpu.memory_space<vmem_shared>> -> memref<1x100000xf32, #tpu.memory_space<vmem_shared>>
      %dma_start3A_612 = tpu.memref_squeeze %dma_start3A_611 : memref<1x100000xf32, #tpu.memory_space<vmem_shared>> -> memref<100000xf32, #tpu.memory_space<vmem_shared>>
      %dma_start3A_613 = arith.constant 0 : i32
      %dma_start3A_614 = tpu.memref_slice %dma_start3A_612[%dma_start3A_613] : memref<100000xf32, #tpu.memory_space<vmem_shared>> -> memref<100000xf32, #tpu.memory_space<vmem_shared>>
      tpu.enqueue_indirect_dma source(%dma_start3A_614 : memref<100000xf32, #tpu.memory_space<vmem_shared>>) target(%dma_start3A_609 : memref<8192xf32, #tpu.memory_space<vmem>>) offsets(%arg12 : memref<8192xi32, #tpu.memory_space<vmem>>) semaphore(%arg20 : memref<!tpu.dma_semaphore, #tpu.memory_space<semaphore_mem>>)
      %dma_wait3A_615 = arith.constant 0 : i32
      %dma_wait3A_616 = arith.constant 0 : i32
      %dma_wait3A_617 = arith.constant 0 : i32
      %dma_wait3A_618 = tpu.memref_slice %arg14[%dma_wait3A_616, %dma_wait3A_617] : memref<3x8192xf32, #tpu.memory_space<vmem>> -> memref<1x8192xf32, #tpu.memory_space<vmem>>
      %dma_wait3A_619 = tpu.memref_squeeze %dma_wait3A_618 : memref<1x8192xf32, #tpu.memory_space<vmem>> -> memref<8192xf32, #tpu.memory_space<vmem>>
      %dma_wait3A_620 = arith.constant 0 : i32
      %dma_wait3A_621 = tpu.memref_slice %arg7[%dma_wait3A_615, %dma_wait3A_620] : memref<3x100000xf32, #tpu.memory_space<vmem_shared>> -> memref<1x100000xf32, #tpu.memory_space<vmem_shared>>
      %dma_wait3A_622 = tpu.memref_squeeze %dma_wait3A_621 : memref<1x100000xf32, #tpu.memory_space<vmem_shared>> -> memref<100000xf32, #tpu.memory_space<vmem_shared>>
      %dma_wait3A_623 = arith.constant 0 : i32
      %dma_wait3A_624 = tpu.memref_slice %dma_wait3A_622[%dma_wait3A_623] : memref<100000xf32, #tpu.memory_space<vmem_shared>> -> memref<100000xf32, #tpu.memory_space<vmem_shared>>
      tpu.wait_indirect_dma semaphore(%arg20 : memref<!tpu.dma_semaphore, #tpu.memory_space<semaphore_mem>>) src(%dma_wait3A_624 : memref<100000xf32, #tpu.memory_space<vmem_shared>>) dst(%dma_wait3A_619 : memref<8192xf32, #tpu.memory_space<vmem>>)
      %dma_wait3A_625 = arith.constant 1 : i32
      %dma_wait3A_626 = arith.constant 1 : i32
      %dma_wait3A_627 = arith.constant 0 : i32
      %dma_wait3A_628 = tpu.memref_slice %arg14[%dma_wait3A_626, %dma_wait3A_627] : memref<3x8192xf32, #tpu.memory_space<vmem>> -> memref<1x8192xf32, #tpu.memory_space<vmem>>
      %dma_wait3A_629 = tpu.memref_squeeze %dma_wait3A_628 : memref<1x8192xf32, #tpu.memory_space<vmem>> -> memref<8192xf32, #tpu.memory_space<vmem>>
      %dma_wait3A_630 = arith.constant 0 : i32
      %dma_wait3A_631 = tpu.memref_slice %arg7[%dma_wait3A_625, %dma_wait3A_630] : memref<3x100000xf32, #tpu.memory_space<vmem_shared>> -> memref<1x100000xf32, #tpu.memory_space<vmem_shared>>
      %dma_wait3A_632 = tpu.memref_squeeze %dma_wait3A_631 : memref<1x100000xf32, #tpu.memory_space<vmem_shared>> -> memref<100000xf32, #tpu.memory_space<vmem_shared>>
      %dma_wait3A_633 = arith.constant 0 : i32
      %dma_wait3A_634 = tpu.memref_slice %dma_wait3A_632[%dma_wait3A_633] : memref<100000xf32, #tpu.memory_space<vmem_shared>> -> memref<100000xf32, #tpu.memory_space<vmem_shared>>
      tpu.wait_indirect_dma semaphore(%arg20 : memref<!tpu.dma_semaphore, #tpu.memory_space<semaphore_mem>>) src(%dma_wait3A_634 : memref<100000xf32, #tpu.memory_space<vmem_shared>>) dst(%dma_wait3A_629 : memref<8192xf32, #tpu.memory_space<vmem>>)
      %dma_wait3A_635 = arith.constant 2 : i32
      %dma_wait3A_636 = arith.constant 2 : i32
      %dma_wait3A_637 = arith.constant 0 : i32
      %dma_wait3A_638 = tpu.memref_slice %arg14[%dma_wait3A_636, %dma_wait3A_637] : memref<3x8192xf32, #tpu.memory_space<vmem>> -> memref<1x8192xf32, #tpu.memory_space<vmem>>
      %dma_wait3A_639 = tpu.memref_squeeze %dma_wait3A_638 : memref<1x8192xf32, #tpu.memory_space<vmem>> -> memref<8192xf32, #tpu.memory_space<vmem>>
      %dma_wait3A_640 = arith.constant 0 : i32
      %dma_wait3A_641 = tpu.memref_slice %arg7[%dma_wait3A_635, %dma_wait3A_640] : memref<3x100000xf32, #tpu.memory_space<vmem_shared>> -> memref<1x100000xf32, #tpu.memory_space<vmem_shared>>
      %dma_wait3A_642 = tpu.memref_squeeze %dma_wait3A_641 : memref<1x100000xf32, #tpu.memory_space<vmem_shared>> -> memref<100000xf32, #tpu.memory_space<vmem_shared>>
      %dma_wait3A_643 = arith.constant 0 : i32
      %dma_wait3A_644 = tpu.memref_slice %dma_wait3A_642[%dma_wait3A_643] : memref<100000xf32, #tpu.memory_space<vmem_shared>> -> memref<100000xf32, #tpu.memory_space<vmem_shared>>
      tpu.wait_indirect_dma semaphore(%arg20 : memref<!tpu.dma_semaphore, #tpu.memory_space<semaphore_mem>>) src(%dma_wait3A_644 : memref<100000xf32, #tpu.memory_space<vmem_shared>>) dst(%dma_wait3A_639 : memref<8192xf32, #tpu.memory_space<vmem>>)
      %dma_start3A_645 = arith.constant 0 : i32
      %dma_start3A_646 = arith.constant 0 : i32
      %dma_start3A_647 = arith.constant 0 : i32
      %dma_start3A_648 = tpu.memref_slice %arg14[%dma_start3A_645, %dma_start3A_647] : memref<3x8192xf32, #tpu.memory_space<vmem>> -> memref<1x8192xf32, #tpu.memory_space<vmem>>
      %dma_start3A_649 = tpu.memref_squeeze %dma_start3A_648 : memref<1x8192xf32, #tpu.memory_space<vmem>> -> memref<8192xf32, #tpu.memory_space<vmem>>
      %dma_start3A_650 = tpu.memref_slice %arg6[%dma_start3A_646, %add3A_546] : memref<3x3200000xf32, #tpu.memory_space<hbm>> -> memref<1x8192xf32, #tpu.memory_space<hbm>>
      %dma_start3A_651 = tpu.memref_squeeze %dma_start3A_650 : memref<1x8192xf32, #tpu.memory_space<hbm>> -> memref<8192xf32, #tpu.memory_space<hbm>>
      %dma_start3A_652 = tpu.memref_slice %arg6[%dma_start3A_646, %add3A_546] : memref<3x3200000xf32, #tpu.memory_space<hbm>> -> memref<1x8192xf32, #tpu.memory_space<hbm>>
      %dma_start3A_653 = tpu.memref_squeeze %dma_start3A_652 : memref<1x8192xf32, #tpu.memory_space<hbm>> -> memref<8192xf32, #tpu.memory_space<hbm>>
      %dma_start3A_654 = arith.constant 0 : i32
      %dma_start3A_655 = tpu.memref_slice %arg14[%dma_start3A_645, %dma_start3A_654] : memref<3x8192xf32, #tpu.memory_space<vmem>> -> memref<1x8192xf32, #tpu.memory_space<vmem>>
      %dma_start3A_656 = tpu.memref_squeeze %dma_start3A_655 : memref<1x8192xf32, #tpu.memory_space<vmem>> -> memref<8192xf32, #tpu.memory_space<vmem>>
      tpu.enqueue_dma source(%dma_start3A_656 : memref<8192xf32, #tpu.memory_space<vmem>>) target(%dma_start3A_653 : memref<8192xf32, #tpu.memory_space<hbm>>) target_semaphore(%arg18 : memref<!tpu.dma_semaphore, #tpu.memory_space<semaphore_mem>>)
      %dma_start3A_657 = arith.constant 1 : i32
      %dma_start3A_658 = arith.constant 1 : i32
      %dma_start3A_659 = arith.constant 0 : i32
      %dma_start3A_660 = tpu.memref_slice %arg14[%dma_start3A_657, %dma_start3A_659] : memref<3x8192xf32, #tpu.memory_space<vmem>> -> memref<1x8192xf32, #tpu.memory_space<vmem>>
      %dma_start3A_661 = tpu.memref_squeeze %dma_start3A_660 : memref<1x8192xf32, #tpu.memory_space<vmem>> -> memref<8192xf32, #tpu.memory_space<vmem>>
      %dma_start3A_662 = tpu.memref_slice %arg6[%dma_start3A_658, %add3A_546] : memref<3x3200000xf32, #tpu.memory_space<hbm>> -> memref<1x8192xf32, #tpu.memory_space<hbm>>
      %dma_start3A_663 = tpu.memref_squeeze %dma_start3A_662 : memref<1x8192xf32, #tpu.memory_space<hbm>> -> memref<8192xf32, #tpu.memory_space<hbm>>
      %dma_start3A_664 = tpu.memref_slice %arg6[%dma_start3A_658, %add3A_546] : memref<3x3200000xf32, #tpu.memory_space<hbm>> -> memref<1x8192xf32, #tpu.memory_space<hbm>>
      %dma_start3A_665 = tpu.memref_squeeze %dma_start3A_664 : memref<1x8192xf32, #tpu.memory_space<hbm>> -> memref<8192xf32, #tpu.memory_space<hbm>>
      %dma_start3A_666 = arith.constant 0 : i32
      %dma_start3A_667 = tpu.memref_slice %arg14[%dma_start3A_657, %dma_start3A_666] : memref<3x8192xf32, #tpu.memory_space<vmem>> -> memref<1x8192xf32, #tpu.memory_space<vmem>>
      %dma_start3A_668 = tpu.memref_squeeze %dma_start3A_667 : memref<1x8192xf32, #tpu.memory_space<vmem>> -> memref<8192xf32, #tpu.memory_space<vmem>>
      tpu.enqueue_dma source(%dma_start3A_668 : memref<8192xf32, #tpu.memory_space<vmem>>) target(%dma_start3A_665 : memref<8192xf32, #tpu.memory_space<hbm>>) target_semaphore(%arg18 : memref<!tpu.dma_semaphore, #tpu.memory_space<semaphore_mem>>)
      %dma_start3A_669 = arith.constant 2 : i32
      %dma_start3A_670 = arith.constant 2 : i32
      %dma_start3A_671 = arith.constant 0 : i32
      %dma_start3A_672 = tpu.memref_slice %arg14[%dma_start3A_669, %dma_start3A_671] : memref<3x8192xf32, #tpu.memory_space<vmem>> -> memref<1x8192xf32, #tpu.memory_space<vmem>>
      %dma_start3A_673 = tpu.memref_squeeze %dma_start3A_672 : memref<1x8192xf32, #tpu.memory_space<vmem>> -> memref<8192xf32, #tpu.memory_space<vmem>>
      %dma_start3A_674 = tpu.memref_slice %arg6[%dma_start3A_670, %add3A_546] : memref<3x3200000xf32, #tpu.memory_space<hbm>> -> memref<1x8192xf32, #tpu.memory_space<hbm>>
      %dma_start3A_675 = tpu.memref_squeeze %dma_start3A_674 : memref<1x8192xf32, #tpu.memory_space<hbm>> -> memref<8192xf32, #tpu.memory_space<hbm>>
      %dma_start3A_676 = tpu.memref_slice %arg6[%dma_start3A_670, %add3A_546] : memref<3x3200000xf32, #tpu.memory_space<hbm>> -> memref<1x8192xf32, #tpu.memory_space<hbm>>
      %dma_start3A_677 = tpu.memref_squeeze %dma_start3A_676 : memref<1x8192xf32, #tpu.memory_space<hbm>> -> memref<8192xf32, #tpu.memory_space<hbm>>
      %dma_start3A_678 = arith.constant 0 : i32
      %dma_start3A_679 = tpu.memref_slice %arg14[%dma_start3A_669, %dma_start3A_678] : memref<3x8192xf32, #tpu.memory_space<vmem>> -> memref<1x8192xf32, #tpu.memory_space<vmem>>
      %dma_start3A_680 = tpu.memref_squeeze %dma_start3A_679 : memref<1x8192xf32, #tpu.memory_space<vmem>> -> memref<8192xf32, #tpu.memory_space<vmem>>
      tpu.enqueue_dma source(%dma_start3A_680 : memref<8192xf32, #tpu.memory_space<vmem>>) target(%dma_start3A_677 : memref<8192xf32, #tpu.memory_space<hbm>>) target_semaphore(%arg18 : memref<!tpu.dma_semaphore, #tpu.memory_space<semaphore_mem>>)
      %add3A_681 = arith.constant 2 : i32
      %add3A_682 = arith.addi %add3A_541, %add3A_681 : i32
      %min3A_683 = arith.constant 12 : i32
      %min3A_684 = arith.minsi %add3A_682, %min3A_683 : i32
      %mul3A_685 = arith.constant 8192 : i32
      %mul3A_686 = arith.muli %min3A_684, %mul3A_685 : i32
      %add3A_687 = arith.addi %min3A_3, %mul3A_686 : i32
      %dma_start3A_688 = tpu.memref_slice %arg5[%add3A_687] : memref<3200000xi32, #tpu.memory_space<hbm>> -> memref<8192xi32, #tpu.memory_space<hbm>>
      %dma_start3A_689 = tpu.memref_slice %arg5[%add3A_687] : memref<3200000xi32, #tpu.memory_space<hbm>> -> memref<8192xi32, #tpu.memory_space<hbm>>
      tpu.enqueue_dma source(%dma_start3A_689 : memref<8192xi32, #tpu.memory_space<hbm>>) target(%arg12 : memref<8192xi32, #tpu.memory_space<vmem>>) target_semaphore(%arg16 : memref<!tpu.dma_semaphore, #tpu.memory_space<semaphore_mem>>)
    }
    %scan3A_306 = arith.constant 6 : i32
    %dma_wait3A_307 = tpu.memref_slice %arg5[%min3A_3] : memref<3200000xi32, #tpu.memory_space<hbm>> -> memref<8192xi32, #tpu.memory_space<hbm>>
    %dma_wait3A_308 = tpu.memref_slice %arg5[%min3A_3] : memref<3200000xi32, #tpu.memory_space<hbm>> -> memref<8192xi32, #tpu.memory_space<hbm>>
    tpu.wait_dma2 semaphore(%arg15 : memref<!tpu.dma_semaphore, #tpu.memory_space<semaphore_mem>>) src(%dma_wait3A_308 : memref<8192xi32, #tpu.memory_space<hbm>>) dst(%arg11 : memref<8192xi32, #tpu.memory_space<vmem>>)
    %dma_wait3A_309 = arith.constant 0 : i32
    %dma_wait3A_310 = arith.constant 0 : i32
    %dma_wait3A_311 = arith.constant 0 : i32
    %dma_wait3A_312 = tpu.memref_slice %arg13[%dma_wait3A_309, %dma_wait3A_311] : memref<3x8192xf32, #tpu.memory_space<vmem>> -> memref<1x8192xf32, #tpu.memory_space<vmem>>
    %dma_wait3A_313 = tpu.memref_squeeze %dma_wait3A_312 : memref<1x8192xf32, #tpu.memory_space<vmem>> -> memref<8192xf32, #tpu.memory_space<vmem>>
    %dma_wait3A_314 = tpu.memref_slice %arg6[%dma_wait3A_310, %min3A_3] : memref<3x3200000xf32, #tpu.memory_space<hbm>> -> memref<1x8192xf32, #tpu.memory_space<hbm>>
    %dma_wait3A_315 = tpu.memref_squeeze %dma_wait3A_314 : memref<1x8192xf32, #tpu.memory_space<hbm>> -> memref<8192xf32, #tpu.memory_space<hbm>>
    %dma_wait3A_316 = tpu.memref_slice %arg6[%dma_wait3A_310, %min3A_3] : memref<3x3200000xf32, #tpu.memory_space<hbm>> -> memref<1x8192xf32, #tpu.memory_space<hbm>>
    %dma_wait3A_317 = tpu.memref_squeeze %dma_wait3A_316 : memref<1x8192xf32, #tpu.memory_space<hbm>> -> memref<8192xf32, #tpu.memory_space<hbm>>
    %dma_wait3A_318 = arith.constant 0 : i32
    %dma_wait3A_319 = tpu.memref_slice %arg13[%dma_wait3A_309, %dma_wait3A_318] : memref<3x8192xf32, #tpu.memory_space<vmem>> -> memref<1x8192xf32, #tpu.memory_space<vmem>>
    %dma_wait3A_320 = tpu.memref_squeeze %dma_wait3A_319 : memref<1x8192xf32, #tpu.memory_space<vmem>> -> memref<8192xf32, #tpu.memory_space<vmem>>
    tpu.wait_dma2 semaphore(%arg17 : memref<!tpu.dma_semaphore, #tpu.memory_space<semaphore_mem>>) src(%dma_wait3A_320 : memref<8192xf32, #tpu.memory_space<vmem>>) dst(%dma_wait3A_317 : memref<8192xf32, #tpu.memory_space<hbm>>)
    %dma_wait3A_321 = arith.constant 1 : i32
    %dma_wait3A_322 = arith.constant 1 : i32
    %dma_wait3A_323 = arith.constant 0 : i32
    %dma_wait3A_324 = tpu.memref_slice %arg13[%dma_wait3A_321, %dma_wait3A_323] : memref<3x8192xf32, #tpu.memory_space<vmem>> -> memref<1x8192xf32, #tpu.memory_space<vmem>>
    %dma_wait3A_325 = tpu.memref_squeeze %dma_wait3A_324 : memref<1x8192xf32, #tpu.memory_space<vmem>> -> memref<8192xf32, #tpu.memory_space<vmem>>
    %dma_wait3A_326 = tpu.memref_slice %arg6[%dma_wait3A_322, %min3A_3] : memref<3x3200000xf32, #tpu.memory_space<hbm>> -> memref<1x8192xf32, #tpu.memory_space<hbm>>
    %dma_wait3A_327 = tpu.memref_squeeze %dma_wait3A_326 : memref<1x8192xf32, #tpu.memory_space<hbm>> -> memref<8192xf32, #tpu.memory_space<hbm>>
    %dma_wait3A_328 = tpu.memref_slice %arg6[%dma_wait3A_322, %min3A_3] : memref<3x3200000xf32, #tpu.memory_space<hbm>> -> memref<1x8192xf32, #tpu.memory_space<hbm>>
    %dma_wait3A_329 = tpu.memref_squeeze %dma_wait3A_328 : memref<1x8192xf32, #tpu.memory_space<hbm>> -> memref<8192xf32, #tpu.memory_space<hbm>>
    %dma_wait3A_330 = arith.constant 0 : i32
    %dma_wait3A_331 = tpu.memref_slice %arg13[%dma_wait3A_321, %dma_wait3A_330] : memref<3x8192xf32, #tpu.memory_space<vmem>> -> memref<1x8192xf32, #tpu.memory_space<vmem>>
    %dma_wait3A_332 = tpu.memref_squeeze %dma_wait3A_331 : memref<1x8192xf32, #tpu.memory_space<vmem>> -> memref<8192xf32, #tpu.memory_space<vmem>>
    tpu.wait_dma2 semaphore(%arg17 : memref<!tpu.dma_semaphore, #tpu.memory_space<semaphore_mem>>) src(%dma_wait3A_332 : memref<8192xf32, #tpu.memory_space<vmem>>) dst(%dma_wait3A_329 : memref<8192xf32, #tpu.memory_space<hbm>>)
    %dma_wait3A_333 = arith.constant 2 : i32
    %dma_wait3A_334 = arith.constant 2 : i32
    %dma_wait3A_335 = arith.constant 0 : i32
    %dma_wait3A_336 = tpu.memref_slice %arg13[%dma_wait3A_333, %dma_wait3A_335] : memref<3x8192xf32, #tpu.memory_space<vmem>> -> memref<1x8192xf32, #tpu.memory_space<vmem>>
    %dma_wait3A_337 = tpu.memref_squeeze %dma_wait3A_336 : memref<1x8192xf32, #tpu.memory_space<vmem>> -> memref<8192xf32, #tpu.memory_space<vmem>>
    %dma_wait3A_338 = tpu.memref_slice %arg6[%dma_wait3A_334, %min3A_3] : memref<3x3200000xf32, #tpu.memory_space<hbm>> -> memref<1x8192xf32, #tpu.memory_space<hbm>>
    %dma_wait3A_339 = tpu.memref_squeeze %dma_wait3A_338 : memref<1x8192xf32, #tpu.memory_space<hbm>> -> memref<8192xf32, #tpu.memory_space<hbm>>
    %dma_wait3A_340 = tpu.memref_slice %arg6[%dma_wait3A_334, %min3A_3] : memref<3x3200000xf32, #tpu.memory_space<hbm>> -> memref<1x8192xf32, #tpu.memory_space<hbm>>
    %dma_wait3A_341 = tpu.memref_squeeze %dma_wait3A_340 : memref<1x8192xf32, #tpu.memory_space<hbm>> -> memref<8192xf32, #tpu.memory_space<hbm>>
    %dma_wait3A_342 = arith.constant 0 : i32
    %dma_wait3A_343 = tpu.memref_slice %arg13[%dma_wait3A_333, %dma_wait3A_342] : memref<3x8192xf32, #tpu.memory_space<vmem>> -> memref<1x8192xf32, #tpu.memory_space<vmem>>
    %dma_wait3A_344 = tpu.memref_squeeze %dma_wait3A_343 : memref<1x8192xf32, #tpu.memory_space<vmem>> -> memref<8192xf32, #tpu.memory_space<vmem>>
    tpu.wait_dma2 semaphore(%arg17 : memref<!tpu.dma_semaphore, #tpu.memory_space<semaphore_mem>>) src(%dma_wait3A_344 : memref<8192xf32, #tpu.memory_space<vmem>>) dst(%dma_wait3A_341 : memref<8192xf32, #tpu.memory_space<hbm>>)
    %dma_wait3A_345 = tpu.memref_slice %arg5[%min3A_3] : memref<3200000xi32, #tpu.memory_space<hbm>> -> memref<8192xi32, #tpu.memory_space<hbm>>
    %dma_wait3A_346 = tpu.memref_slice %arg5[%min3A_3] : memref<3200000xi32, #tpu.memory_space<hbm>> -> memref<8192xi32, #tpu.memory_space<hbm>>
    tpu.wait_dma2 semaphore(%arg16 : memref<!tpu.dma_semaphore, #tpu.memory_space<semaphore_mem>>) src(%dma_wait3A_346 : memref<8192xi32, #tpu.memory_space<hbm>>) dst(%arg12 : memref<8192xi32, #tpu.memory_space<vmem>>)
    %dma_wait3A_347 = arith.constant 0 : i32
    %dma_wait3A_348 = arith.constant 0 : i32
    %dma_wait3A_349 = arith.constant 0 : i32
    %dma_wait3A_350 = tpu.memref_slice %arg14[%dma_wait3A_347, %dma_wait3A_349] : memref<3x8192xf32, #tpu.memory_space<vmem>> -> memref<1x8192xf32, #tpu.memory_space<vmem>>
    %dma_wait3A_351 = tpu.memref_squeeze %dma_wait3A_350 : memref<1x8192xf32, #tpu.memory_space<vmem>> -> memref<8192xf32, #tpu.memory_space<vmem>>
    %dma_wait3A_352 = tpu.memref_slice %arg6[%dma_wait3A_348, %min3A_3] : memref<3x3200000xf32, #tpu.memory_space<hbm>> -> memref<1x8192xf32, #tpu.memory_space<hbm>>
    %dma_wait3A_353 = tpu.memref_squeeze %dma_wait3A_352 : memref<1x8192xf32, #tpu.memory_space<hbm>> -> memref<8192xf32, #tpu.memory_space<hbm>>
    %dma_wait3A_354 = tpu.memref_slice %arg6[%dma_wait3A_348, %min3A_3] : memref<3x3200000xf32, #tpu.memory_space<hbm>> -> memref<1x8192xf32, #tpu.memory_space<hbm>>
    %dma_wait3A_355 = tpu.memref_squeeze %dma_wait3A_354 : memref<1x8192xf32, #tpu.memory_space<hbm>> -> memref<8192xf32, #tpu.memory_space<hbm>>
    %dma_wait3A_356 = arith.constant 0 : i32
    %dma_wait3A_357 = tpu.memref_slice %arg14[%dma_wait3A_347, %dma_wait3A_356] : memref<3x8192xf32, #tpu.memory_space<vmem>> -> memref<1x8192xf32, #tpu.memory_space<vmem>>
    %dma_wait3A_358 = tpu.memref_squeeze %dma_wait3A_357 : memref<1x8192xf32, #tpu.memory_space<vmem>> -> memref<8192xf32, #tpu.memory_space<vmem>>
    tpu.wait_dma2 semaphore(%arg18 : memref<!tpu.dma_semaphore, #tpu.memory_space<semaphore_mem>>) src(%dma_wait3A_358 : memref<8192xf32, #tpu.memory_space<vmem>>) dst(%dma_wait3A_355 : memref<8192xf32, #tpu.memory_space<hbm>>)
    %dma_wait3A_359 = arith.constant 1 : i32
    %dma_wait3A_360 = arith.constant 1 : i32
    %dma_wait3A_361 = arith.constant 0 : i32
    %dma_wait3A_362 = tpu.memref_slice %arg14[%dma_wait3A_359, %dma_wait3A_361] : memref<3x8192xf32, #tpu.memory_space<vmem>> -> memref<1x8192xf32, #tpu.memory_space<vmem>>
    %dma_wait3A_363 = tpu.memref_squeeze %dma_wait3A_362 : memref<1x8192xf32, #tpu.memory_space<vmem>> -> memref<8192xf32, #tpu.memory_space<vmem>>
    %dma_wait3A_364 = tpu.memref_slice %arg6[%dma_wait3A_360, %min3A_3] : memref<3x3200000xf32, #tpu.memory_space<hbm>> -> memref<1x8192xf32, #tpu.memory_space<hbm>>
    %dma_wait3A_365 = tpu.memref_squeeze %dma_wait3A_364 : memref<1x8192xf32, #tpu.memory_space<hbm>> -> memref<8192xf32, #tpu.memory_space<hbm>>
    %dma_wait3A_366 = tpu.memref_slice %arg6[%dma_wait3A_360, %min3A_3] : memref<3x3200000xf32, #tpu.memory_space<hbm>> -> memref<1x8192xf32, #tpu.memory_space<hbm>>
    %dma_wait3A_367 = tpu.memref_squeeze %dma_wait3A_366 : memref<1x8192xf32, #tpu.memory_space<hbm>> -> memref<8192xf32, #tpu.memory_space<hbm>>
    %dma_wait3A_368 = arith.constant 0 : i32
    %dma_wait3A_369 = tpu.memref_slice %arg14[%dma_wait3A_359, %dma_wait3A_368] : memref<3x8192xf32, #tpu.memory_space<vmem>> -> memref<1x8192xf32, #tpu.memory_space<vmem>>
    %dma_wait3A_370 = tpu.memref_squeeze %dma_wait3A_369 : memref<1x8192xf32, #tpu.memory_space<vmem>> -> memref<8192xf32, #tpu.memory_space<vmem>>
    tpu.wait_dma2 semaphore(%arg18 : memref<!tpu.dma_semaphore, #tpu.memory_space<semaphore_mem>>) src(%dma_wait3A_370 : memref<8192xf32, #tpu.memory_space<vmem>>) dst(%dma_wait3A_367 : memref<8192xf32, #tpu.memory_space<hbm>>)
    %dma_wait3A_371 = arith.constant 2 : i32
    %dma_wait3A_372 = arith.constant 2 : i32
    %dma_wait3A_373 = arith.constant 0 : i32
    %dma_wait3A_374 = tpu.memref_slice %arg14[%dma_wait3A_371, %dma_wait3A_373] : memref<3x8192xf32, #tpu.memory_space<vmem>> -> memref<1x8192xf32, #tpu.memory_space<vmem>>
    %dma_wait3A_375 = tpu.memref_squeeze %dma_wait3A_374 : memref<1x8192xf32, #tpu.memory_space<vmem>> -> memref<8192xf32, #tpu.memory_space<vmem>>
    %dma_wait3A_376 = tpu.memref_slice %arg6[%dma_wait3A_372, %min3A_3] : memref<3x3200000xf32, #tpu.memory_space<hbm>> -> memref<1x8192xf32, #tpu.memory_space<hbm>>
    %dma_wait3A_377 = tpu.memref_squeeze %dma_wait3A_376 : memref<1x8192xf32, #tpu.memory_space<hbm>> -> memref<8192xf32, #tpu.memory_space<hbm>>
    %dma_wait3A_378 = tpu.memref_slice %arg6[%dma_wait3A_372, %min3A_3] : memref<3x3200000xf32, #tpu.memory_space<hbm>> -> memref<1x8192xf32, #tpu.memory_space<hbm>>
    %dma_wait3A_379 = tpu.memref_squeeze %dma_wait3A_378 : memref<1x8192xf32, #tpu.memory_space<hbm>> -> memref<8192xf32, #tpu.memory_space<hbm>>
    %dma_wait3A_380 = arith.constant 0 : i32
    %dma_wait3A_381 = tpu.memref_slice %arg14[%dma_wait3A_371, %dma_wait3A_380] : memref<3x8192xf32, #tpu.memory_space<vmem>> -> memref<1x8192xf32, #tpu.memory_space<vmem>>
    %dma_wait3A_382 = tpu.memref_squeeze %dma_wait3A_381 : memref<1x8192xf32, #tpu.memory_space<vmem>> -> memref<8192xf32, #tpu.memory_space<vmem>>
    tpu.wait_dma2 semaphore(%arg18 : memref<!tpu.dma_semaphore, #tpu.memory_space<semaphore_mem>>) src(%dma_wait3A_382 : memref<8192xf32, #tpu.memory_space<vmem>>) dst(%dma_wait3A_379 : memref<8192xf32, #tpu.memory_space<hbm>>)
    return
  }
}

</mosaic_0001>

<sc_bundles>
// kernel: kernel.3.cloned.1.call-start
scs
__scs_entry_jumppad:
0x0: {  	(pc) =	sbr.rel $0x88, $3  }
0x1: {  	(tag) =	ssettag $0x0;
	lr =	simm.s32 $0x1  }
0x2: {  	[smem:$0x3F9D] =	sst lr;
	_ =	strace $0xD0000000  }
0x3: {  	_ = 	snop  }
0x4: {  	_ = 	snop  }
0x5: {  	_ = 	snop  }
0x6: {  	_ = 	snop  }
0x7: {  	_ = 	snop  }
__scs_overlays_trampoline_lowered:
0x8: {  	[smem:$0x3FAC] =	sst s0  }
0x9: {  	[smem:$0x3FAD] =	sst s1  }
0xa: {  	[smem:$0x3FAE] =	sst s2  }
0xb: {  	[smem:$0x3FAF] =	sst s3  }
0xc: {  	[smem:$0x3FB0] =	sst s4  }
0xd: {  	[smem:$0x3FB1] =	sst s5  }
0xe: {  	[smem:$0x3FB2] =	sst s6  }
0xf: {  	[smem:$0x3FB3] =	sst s7  }
0x10: {  	[smem:$0x3FB4] =	sst s8  }
0x11: {  	[smem:$0x3FB5] =	sst s9;
	s0 =	simm.s32 @!p0 $0x0  }
0x12: {  	s1 =	sld [smem:$0x3F9B];
	s0 =	simm.s32 @p0 $0x1  }
0x13: {  	[smem:$0x3FB6] =	sst s0;
	s0 =	simm.s32 @!p1 $0x0  }
0x14: {  	s2 =	sld [smem:$0x3F9A];
	s0 =	simm.s32 @p1 $0x1  }
0x15: {  	[smem:$0x3FB7] =	sst s0;
	s0 =	simm.s32 @!p2 $0x0  }
0x16: {  	s3 =	sld [smem:$0x3FDB];
	s0 =	simm.s32 @p2 $0x1  }
0x17: {  	s4 =	simm.s32 $0x1BF5;
	[smem:$0x3FB9] =	sst s0  }
0x18: {  	s0 =	sld [smem:$0x3F9C];
	_ =	swait.ge [sflag:s4], $0x0  }
0x19: {  	s7 =	sld [smem:$0x3F9D]  }
0x1a: {  	s8 =	sadd.s32 $0xFFFFE003, lr  }
0x1b: {  	s9 =	sadd.s32 $0xFFFFFEF7, lr;
	s5 =	simm.s32 $0xFFFFFFFF;
	p2 =	slt.u32 s8, $0xFFFFF086  }
0x1c: {  	p1 =	slt.u32 s9, $0xF7A;
	s5 =	simm.s32 @!p2 $0x0  }
0x1d: {  	s5 =	simm.s32 @p1 $0x1;
	p0 =	seq.s32 s7, s2  }
0x1e: {  	s7 =	smul.u32 @!p0 $0xF7A, s2;
	p2 =	seq.s32 @!p0 s5, $0x0  }
0x1f: {  	s9 =	smul.u32 $0xF7A, s1;
	s8 =	simm.s32 @!p0 $0x1BF5;
	p2 =	por !p2, p0  }
0x20: {  	[sflag:s8] =	ssyncset.s32 @!p0 $0xFFFFF086;
	s6 =	sadd.s32 @!p0 s3, s7;
	s7 =	simm.s32 @!p0 $0x108  }
0x21: {  	s3 =	sadd.s32 s3, s9;
	s6 =	sadd.s32 @!p0 $0x88, s6;
	s7 =	simm.s32 @p2 $0x1082  }
0x22: {  	[simem:s7], [sflag:s8] =	dma.local @!p0 [hbm:s6], $0xF7A  }
0x23: {  	s9 =	sor.u32 $0xD0000000, s2;
	s6 =	simm.s32 $0x108;
	_ =	swait.ge @!p0 [sflag:s8], $0x0  }
0x24: {  	s3 =	sadd.s32 $0x88, s3;
	s6 =	simm.s32 @!p1 $0x1082;
	[sflag:s4] =	ssyncset.s32 $0xFFFFF086  }
0x25: {  	[simem:s6], [sflag:s4] =	dma.local [hbm:s3], $0xF7A  }
0x26: {  	[smem:$0x3F9D] =	sst s1;
	(tag) =	ssettag s2;
	_ =	strace s9  }
0x27: {  	s1 =	sld [smem:$0x3FAD]  }
0x28: {  	s2 =	sld [smem:$0x3FAE]  }
0x29: {  	s4 =	sld [smem:$0x3FB0]  }
0x2a: {  	p0 =	seq.s32 s5, $0x0;
	s5 =	sld [smem:$0x3FB1]  }
0x2b: {  	s6 =	sld [smem:$0x3FB2]  }
0x2c: {  	s7 =	sld [smem:$0x3FB3]  }
0x2d: {  	s3 =	simm.s32 $0x108;
	s8 =	sld [smem:$0x3FB4]  }
0x2e: {  	s3 =	simm.s32 @!p0 $0x1082;
	s9 =	sld [smem:$0x3FB5]  }
0x2f: {  	lr =	sadd.s32 s0, s3;
	s0 =	sld [smem:$0x3FAC]  }
0x30: {  	s3 =	sld [smem:$0x3FAF]  }
0x31: {  	[smem:$0x3FB8] =	sst s10  }
0x32: {  	s10 =	sld [smem:$0x3FB6];
	_ =	sdelay $0x3  }
0x33: {  	p0 =	seq.s32 s10, $0x1;
	s10 =	sld [smem:$0x3FB8];
	_ =	sdelay $0x3  }
0x34: {  	[smem:$0x3FB8] =	sst s10  }
0x35: {  	s10 =	sld [smem:$0x3FB7];
	_ =	sdelay $0x3  }
0x36: {  	p1 =	seq.s32 s10, $0x1;
	s10 =	sld [smem:$0x3FB8];
	_ =	sdelay $0x3  }
0x37: {  	[smem:$0x3FB8] =	sst s10  }
0x38: {  	s10 =	sld [smem:$0x3FB9]  }
0x39: {  	_ = 	snop;
	(pc) =	sbr.ind lr, $3  }
0x3a: {  	_ = 	snop  }
0x3b: {  	_ = 	snop  }
0x3c: {  	p2 =	seq.s32 s10, $0x1;
	s10 =	sld [smem:$0x3FB8]  }
0x3d: {  	_ =	shalt  }
0x3e: {  	_ =	shalt  }
0x3f: {  	_ =	shalt  }
0x40: {  	_ =	shalt  }
0x41: {  	_ =	shalt  }
0x42: {  	_ =	shalt  }
0x43: {  	_ =	shalt  }
0x44: {  	_ =	shalt  }
0x45: {  	_ =	shalt  }
0x46: {  	_ =	shalt  }
0x47: {  	_ =	shalt  }
0x48: {  	_ =	shalt  }
0x49: {  	_ =	shalt  }
0x4a: {  	_ =	shalt  }
0x4b: {  	_ =	shalt  }
0x4c: {  	_ =	shalt  }
0x4d: {  	_ =	shalt  }
0x4e: {  	_ =	shalt  }
0x4f: {  	_ =	shalt  }
0x50: {  	_ =	shalt  }
0x51: {  	_ =	shalt  }
0x52: {  	_ =	shalt  }
0x53: {  	_ =	shalt  }
0x54: {  	_ =	shalt  }
0x55: {  	_ =	shalt  }
0x56: {  	_ =	shalt  }
0x57: {  	_ =	shalt  }
0x58: {  	_ =	shalt  }
0x59: {  	_ =	shalt  }
0x5a: {  	_ =	shalt  }
0x5b: {  	_ =	shalt  }
0x5c: {  	_ =	shalt  }
0x5d: {  	_ =	shalt  }
0x5e: {  	_ =	shalt  }
0x5f: {  	_ =	shalt  }
0x60: {  	_ =	shalt  }
0x61: {  	_ =	shalt  }
0x62: {  	_ =	shalt  }
0x63: {  	_ =	shalt  }
0x64: {  	_ =	shalt  }
0x65: {  	_ =	shalt  }
0x66: {  	_ =	shalt  }
0x67: {  	_ =	shalt  }
0x68: {  	_ =	shalt  }
0x69: {  	_ =	shalt  }
0x6a: {  	_ =	shalt  }
0x6b: {  	_ =	shalt  }
0x6c: {  	_ =	shalt  }
0x6d: {  	_ =	shalt  }
0x6e: {  	_ =	shalt  }
0x6f: {  	_ =	shalt  }
0x70: {  	_ =	shalt  }
0x71: {  	_ =	shalt  }
0x72: {  	_ =	shalt  }
0x73: {  	_ =	shalt  }
0x74: {  	_ =	shalt  }
0x75: {  	_ =	shalt  }
0x76: {  	_ =	shalt  }
0x77: {  	_ =	shalt  }
0x78: {  	_ =	shalt  }
0x79: {  	_ =	shalt  }
0x7a: {  	_ =	shalt  }
0x7b: {  	_ =	shalt  }
0x7c: {  	_ =	shalt  }
0x7d: {  	_ =	shalt  }
0x7e: {  	_ =	shalt  }
0x7f: {  	_ =	shalt  }
0x80: {  	_ =	shalt  }
0x81: {  	_ =	shalt  }
0x82: {  	_ =	shalt  }
0x83: {  	_ =	shalt  }
0x84: {  	_ =	shalt  }
0x85: {  	_ =	shalt  }
0x86: {  	_ =	shalt  }
0x87: {  	_ =	shalt  }
.Lfunc_end0:
.L_simem_size_0:
called_computation.1_lowered:
.L_overlay_start_0:
0x88: {  	s2 =	sld [smem:$0x3FD9]  }
0x89: {  	s3 =	sld [smem:$0x3FFE];
	_ =	sdelay $0x1  }
0x8a: {  	s1 =	srdreg.scid  }
0x8b: {  	s0 =	sand.u32 $0x1, s1  }
0x8c: {  	s17 =	sshll.u32 s0, $0xA;
	s2 =	sadd.s32 s3, s2  }
0x8d: {  	s2 =	sadd.s32 s2, s17  }
0x8e: {  	[smem:$0x3FC4] =	sst s2  }
0x8f: {  	_ = 	snop  }
0x90: {  	s2 =	sld [smem:$0x3FC7]  }
0x91: {  	s18 =	sld [smem:$0x3FD0];
	(tm) =	ssettm $0x1  }
0x92: {  	s4 =	sld [smem:$0x3FFB];
	_ =	sdelay $0x3  }
0x93: {  	_ =	strace s4  }
0x94: {  	s4 =	sld [smem:$0x3FFC];
	_ =	sdelay $0x3  }
0x95: {  	_ =	strace s4  }
0x96: {  	s4 =	sld [smem:$0x3FFD];
	_ =	sdelay $0x3  }
0x97: {  	_ =	strace s4  }
0x98: {  	_ =	strace $0x8FFFFFFF  }
0x99: {  	s19 =	sld [smem:$0x3FDB];
	_ =	sdelay $0x1  }
0x9a: {  	s5 =	simm.s32 $_scs_section_size  }
0x9b: {  	s6 =	simm.s32 $_size__tile_overlayer_lowered;
	s7 =	simm.s32 $_tile_overlayer_lowered  }
0x9c: {  	s22 =	simm.s32 $0x1BFF;
	s21 =	sshll.u32 s7, $0x1;
	s4 =	sadd.s32 s5, s19  }
0x9d: {  	s8 =	simm.s32 $0x0;
	s20 =	sshll.u32 s6, $0x1;
	s6 =	sadd.s32 s21, s4  }
0x9e: {  	[timem:s8], [sflag:s22] =	dma.local [hbm:s6], s20  }
0x9f: {  	_ =	swait.ge [sflag:s22], s20  }
0xa0: {  	s5 =	ssub.s32 $0x0, s20;
	[sflag:s22] =	ssyncset.done $0x0  }
0xa1: {  	[sflag:s22] =	ssyncadd.s32 s5;
	_ =	sdelay $0x1  }
0xa2: {  	s23 =	simm.s32 $0x1B8B  }
0xa3: {  	_ =	swait.ge [sflag:s23], $0x1  }
0xa4: {  	[sflag:s23] =	ssyncset.done $0x0  }
0xa5: {  	s25 =	simm.s32 $0x1B8E;
	s24 =	sld [smem:$0x3FFE];
	[sflag:s23] =	ssyncadd.s32 $0xFFFFFFFF  }
0xa6: {  	s26 =	simm.s32 $execute0_lowered;
	[smem:$0x3FD2] =	sst s25  }
0xa7: {  	s6 =	sshll.u32 s26, $0x1;
	_ =	strace $0x80000046;
	[dreg:$0x1] =	wrdreg $0xFFFFFFFF  }
0xa8: {  	s28 =	simm.s32 $_size_execute0_lowered;
	s4 =	sadd.s32 s4, s6;
	[dreg:$0x0] =	wrdreg $0x0  }
0xa9: {  	s6 =	sshll.u32 s28, $0x1;
	[dreg:$0x2] =	wrdreg s4  }
0xaa: {  	[dreg:$0x3] =	wrdreg s6  }
0xab: {  	[dreg:$0x4] =	wrdreg $0xC0  }
0xac: {  	_ =	task [dreg:s8], $0x5FFFF  }
0xad: {  	[dreg:$0x1] =	wrdreg $0xFFFFFFFF  }
0xae: {  	[dreg:$0x0] =	wrdreg $0x60  }
0xaf: {  	[dreg:$0x2] =	wrdreg s24  }
0xb0: {  	[dreg:$0x3] =	wrdreg s2  }
0xb1: {  	[dreg:$0x4] =	wrdreg s18  }
0xb2: {  	[dreg:$0x5] =	wrdreg $0x0  }
0xb3: {  	[dreg:$0x6] =	wrdreg $0x9  }
0xb4: {  	_ =	task.clear_ibuf [dreg:s8], $0x7FFFF;
	_ =	strace $0x90000046  }
0xb5: {  	s29 =	simm.s32 $0x9;
	_ =	strace $0x80000048  }
0xb6: {  	_ =	swait.ge [sflag:s29], $0x1  }
0xb7: {  	[sflag:s29] =	ssyncadd.s32 $0xFFFFFFFF  }
0xb8: {  	_ =	strace $0x90000048  }
0xb9: {  	_ =	sfence  }
0xba: {  	s30 =	sld [smem:$0x0];
	_ =	sdelay $0x2  }
0xbb: {  	s31 =	sshll.u32 s1, $0xD;
	s1 =	sshrl.u32 s1, $0x2  }
0xbc: {  	s3 =	sand.u32 $0x4000, s31;
	s1 =	sadd.s32 s1, s30  }
0xbd: {  	s0 =	sor.u32 s3, s0;
	s1 =	sshll.u32 s1, $0x11  }
0xbe: {  	s0 =	sor.u32 s1, s0  }
0xbf: {  	s0 =	sadd.s32 $0x8F2B, s0  }
0xc0: {  	[sflag:s0] =	ssyncadd.remote.s32 $0x1  }
0xc1: {  	_ =	sfence.sel $0xFFFF  }
0xc2: {  	[dreg:$0x0] =	wrdreg $0xFFFFFFFF;
	(pc) =	sbr.abs _section_cstart, $3  }
0xc3: {  	[dreg:$0x1] =	wrdreg $0xFFFFFFFF  }
0xc4: {  	_ =	task.clear_ibuf [dreg:s8], $0x2FFFF;
	_ =	strace $0x9FFFFFFF  }
0xc5: {  	(tm) =	ssettm $0x7FFFFFFF  }
tec
execute0_lowered:
.L_overlay_start_1:
0x0: {  	(tag) =	ssettag $0x1  }
0x1: {  	s0 =	rddreg [dreg:$0x0]  }
0x2: {  	s14 =	rddreg [dreg:$0x1]  }
0x3: {  	s4 =	rddreg [dreg:$0x2]  }
0x4: {  	s19 =	rddreg [dreg:$0x3]  }
0x5: {  	s1 =	srdreg.scid;
	s13 =	stileid.u32;
	s5 =	simm.s32 $0x0  }
0x6: {  	s30 =	simm.s32 $0x5;
	s31 =	simm.s32 $0x1;
	s1 =	sand.u32 $0x1, s1  }
0x7: {  	s2 =	sshll.u32 s13, $0x1;
	[smem:$0x7FF] =	sst s5;
	s3 =	sadd.s32 $0x800, s0  }
0x8: {  	s16 =	sadd.s32 $0x9400, s0;
	s17 =	smul.u32 $0x1870, s13;
	s8 =	sadd.s32 $0x12800, s0  }
0x9: {  	s12 =	smul.u32 $0x34000, s13;
	s28 =	sadd.s32 $0x186A0, s19;
	s29 =	sadd.s32 $0x30D40, s19  }
0xa: {  	s2 =	sor.u32 s1, s2;
	s6 =	ssub.s32 $0x2, s1;
	s1 =	smul.u32 $0x1A000, s1  }
0xb: {  	_ =	strace $0x80000047;
	s2 =	smul.u32 $0x1A000, s2;
	s7 =	sshrl.u32 s6, $0x1  }
0xc: {  	[dreg:$0x6] =	wrdreg s3;
	s18 =	ssub.s32 s6, s7;
	s1 =	sadd.s32 s1, s12  }
0xd: {  	s7 =	simm.s32 $0x17318;
	s15 =	smin.u32 s2, $0x2F3400;
	s2 =	smin.u32 s17, $0x16E30  }
0xe: {  	s1 =	smin.u32 s1, $0x2F3400;
	s0 =	smax.u32 s18, $0x1;
	s20 =	sshrl.u32 s15, $0x3  }
0xf: {  	s23 =	sshrl.u32 s2, $0x3;
	s10 =	sadd.s32 $0x186A0, s2;
	s11 =	sadd.s32 s2, s19  }
0x10: {  	s2 =	sadd.s32 $0x30D40, s2;
	[dreg:$0x7] =	wrdreg s15;
	s1 =	sshrl.u32 s1, $0x3  }
0x11: {  	[dreg:$0x11] =	wrdreg s0;
	s21 =	sadd.s32 s8, s20;
	s22 =	sadd.s32 $0x400, s20  }
0x12: {  	s24 =	sadd.s32 s10, s19;
	s18 =	sshrl.u32 s11, $0x3;
	[dreg:$0x8] =	wrdreg s21  }
0x13: {  	s10 =	sshrl.u32 s10, $0x3;
	s6 =	sadd.s32 s4, s20;
	[dreg:$0x15] =	wrdreg s18  }
0x14: {  	s25 =	sshrl.u32 s2, $0x3;
	s9 =	sadd.s32 s8, s22;
	[dreg:$0xd] =	wrdreg s6  }
0x15: {  	s2 =	sadd.s32 s2, s19;
	s10 =	sadd.s32 s16, s10;
	[dreg:$0x9] =	wrdreg s9  }
0x16: {  	s11 =	simm.s32 $0xA740;
	s3 =	sadd.s32 s16, s25;
	[dreg:$0xb] =	wrdreg s10  }
0x17: {  	s25 =	sadd.s32 $0x4000, s15;
	s20 =	sshrl.u32 s24, $0x3;
	[dreg:$0xc] =	wrdreg s3  }
0x18: {  	s15 =	sadd.s32 $0x6000, s15;
	s21 =	sshrl.u32 s2, $0x3;
	[dreg:$0x16] =	wrdreg s20  }
0x19: {  	s24 =	sadd.s32 $0x61E80, s6;
	s18 =	simm.s32 $0x7;
	[dreg:$0x17] =	wrdreg s21  }
0x1a: {  	s2 =	simm.s32 $0x1;
	s9 =	sadd.s32 s16, s23;
	[dreg:$0x1a] =	wrdreg s24  }
0x1b: {  	s26 =	sshrl.u32 s25, $0x3;
	s10 =	sadd.s32 s4, s22;
	[dreg:$0x5] =	wrdreg s15  }
0x1c: {  	s12 =	sshrl.u32 s15, $0x3;
	s16 =	sadd.s32 s4, s1;
	[dreg:$0xa] =	wrdreg s9  }
0x1d: {  	s22 =	sadd.s32 $0x61A80, s6;
	s23 =	sadd.s32 $0xC3500, s6;
	[dreg:$0xf] =	wrdreg s10  }
0x1e: {  	s20 =	simm.s32 $0x2000;
	s4 =	simm.s32 $0x2;
	[dreg:$0x18] =	wrdreg s22  }
0x1f: {  	s21 =	simm.s32 $0x6;
	s3 =	sadd.s32 s8, s26;
	[dreg:$0x19] =	wrdreg s23  }
0x20: {  	s15 =	simm.s32 $0x16740;
	s1 =	sadd.s32 $0x800, s16;
	[dreg:$0xe] =	wrdreg s3  }
0x21: {  	s17 =	sadd.s32 $0x62280, s16;
	s0 =	sadd.s32 $0xC3D00, s16;
	[dreg:$0x12] =	wrdreg s1  }
0x22: {  	s26 =	sadd.s32 $0xC3900, s6;
	s10 =	simm.s32 $0x80;
	[dreg:$0x13] =	wrdreg s17  }
0x23: {  	s16 =	simm.s32 $0x8;
	s22 =	simm.s32 $0x3;
	[dreg:$0x14] =	wrdreg s0  }
0x24: {  	s3 =	sadd.s32 s8, s12;
	[dreg:$0x1b] =	wrdreg s26;
	s26 =	smul.u32 $0x1780, s13  }
0x25: {  	s23 =	simm.s32 $0x4;
	s12 =	simm.s32 $0xC740;
	[dreg:$0x10] =	wrdreg s3  }
0x26: {  	s0 =	simm.s32 $0x10740;
	s3 =	simm.s32 $0x0;
	[dreg:$0x1c] =	wrdreg s26  }
.LBB2_1:
0x27: {  	s1 =	rddreg [dreg:$0x8];
	s9 =	sadd.s32 $0x0, s26  }
0x28: {  	[tilespmem:s11], [sflag:$0x1] =	stream.linear.gather [hbm4b:s1+s5], $0x2000, $0x38;
	[tilespmem:$0x1A740] =	vst v63  }
0x29: {  	[dreg:$0x1d] =	wrdreg s3;
	s1 =	smin.u32 s9, $0x17298  }
0x2a: {  	s6 =	rddreg [dreg:$0x9];
	s17 =	simm.s32 $0x4940;
	s13 =	sshrl.u32 s1, $0x3  }
0x2b: {  	[tilespmem:s12], [sflag:$0x2] =	stream.linear.gather [hbm4b:s6+s5], $0x2000, $0x38;
	[tilespmem:$0x1A740] =	vst v63  }
0x2c: {  	s24 =	sadd.s32 $0x80, s26;
	s9 =	rddreg [dreg:$0x6];
	s6 =	sadd.s32 s14, s13  }
0x2d: {  	[tilespmem:s17], [sflag:$0x7] =	stream.linear.gather [hbm4b:s6+s5], $0x80, $0x38;
	[tilespmem:$0x1A740] =	vst v63  }
0x2e: {  	s1 =	simm.s32 $0x60C0;
	s3 =	sadd.s32 s9, s13;
	s13 =	smin.u32 s24, $0x17298  }
0x2f: {  	[tilespmem:s1], [sflag:$0x7] =	stream.strided.gather [hbm4b:s3+s10], $0x180, s7, s10, $0x38;
	[tilespmem:$0x1A740] =	vst v63  }
0x30: {  	s17 =	simm.s32 $0x17318;
	s7 =	sshrl.u32 s13, $0x3  }
0x31: {  	s6 =	simm.s32 $0x100;
	s3 =	simm.s32 $0x49C0;
	s24 =	sadd.s32 s14, s7  }
0x32: {  	[tilespmem:s3], [sflag:$0x7] =	stream.linear.gather [hbm4b:s24+s5], $0x80, $0x38;
	[tilespmem:$0x1A740] =	vst v63  }
.LBB2_2:
0x33: {  	s13 =	sadd.s32 s6, s26  }
0x34: {  	s7 =	sadd.s32 s9, s7;
	s1 =	sadd.s32 $0x180, s1;
	p0 =	sne.s32 s6, $0x1700  }
0x35: {  	[tilespmem:s1], [sflag:$0x7] =	stream.strided.gather [hbm4b:s7+s10], $0x180, s17, s10, $0x38;
	[tilespmem:$0x1A740] =	vst v63  }
.Ltmp0:
0x36: {  	_ = 	snop;
	(pc) =	sbr.rel @p0 .LBB2_2-.Ltmp0, $4  }
0x37: {  	s6 =	sadd.s32 $0x80, s6;
	s7 =	smin.u32 s13, $0x17298  }
0x38: {  	s7 =	sshrl.u32 s7, $0x3  }
0x39: {  	s3 =	sadd.s32 $0x80, s3;
	s13 =	sadd.s32 s14, s7  }
0x3a: {  	[tilespmem:s3], [sflag:$0x7] =	stream.linear.gather [hbm4b:s13+s5], $0x80, $0x38;
	[tilespmem:$0x1A740] =	vst v63  }
0x3b: {  	s3 =	sadd.s32 s9, s7;
	s1 =	sadd.s32 $0x180, s1;
	s24 =	stileid.u32  }
0x3c: {  	[tilespmem:s1], [sflag:$0x7] =	stream.strided.gather [hbm4b:s3+s10], $0x180, s17, s10, $0x38;
	[tilespmem:$0x1A740] =	vst v63  }
0x3d: {  	s26 =	rddreg [dreg:$0xa];
	s1 =	sshll.u32 s24, $0x6  }
0x3e: {  	s6 =	rddreg [dreg:$0x15];
	s1 =	sor.u32 $0x1C08, s1  }
0x3f: {  	[spmem:s6], [sflag:s1] =	dma.local [hbm:s26], $0x30E  }
0x40: {  	s3 =	rddreg [dreg:$0xb]  }
0x41: {  	s6 =	rddreg [dreg:$0x16]  }
0x42: {  	[spmem:s6], [sflag:s1] =	dma.local [hbm:s3], $0x30E  }
0x43: {  	s3 =	rddreg [dreg:$0xc]  }
0x44: {  	s6 =	rddreg [dreg:$0x17]  }
0x45: {  	[spmem:s6], [sflag:s1] =	dma.local [hbm:s3], $0x30E  }
0x46: {  	_ =	swait.ge [sflag:s16], $0x30E  }
0x47: {  	[sflag:s16] =	ssyncset.done $0x0  }
0x48: {  	[sflag:s16] =	ssyncadd.s32 $0xFFFFFCF2  }
0x49: {  	_ =	swait.ge [sflag:s16], $0x30E  }
0x4a: {  	[sflag:s16] =	ssyncset.done $0x0  }
0x4b: {  	[sflag:s16] =	ssyncadd.s32 $0xFFFFFCF2  }
0x4c: {  	_ =	swait.ge [sflag:s16], $0x30E  }
0x4d: {  	[sflag:s16] =	ssyncset.done $0x0  }
0x4e: {  	[sflag:s16] =	ssyncadd.s32 $0xFFFFFCF2  }
0x4f: {  	[bflag:$0x0] =	sbarrier.arrive $0xFFFF  }
0x50: {  	_ =	swait.ge [sflag:s18], $0x80  }
0x51: {  	[sflag:s18] =	ssyncset.done $0x0  }
0x52: {  	[sflag:s18] =	ssyncadd.s32 $0xFFFFFF80  }
0x53: {  	_ =	swait.ge [sflag:s18], $0x180  }
0x54: {  	s1 =	simm.s32 $0x2E;
	[sflag:s18] =	ssyncset.done $0x0  }
.LBB2_4:
0x55: {  	p0 =	sne.s32 s1, $0x1;
	s1 =	sadd.s32 $0xFFFFFFFF, s1;
	[sflag:s18] =	ssyncadd.s32 $0xFFFFFE80  }
.Ltmp1:
0x56: {  	_ =	swait.ge [sflag:s18], $0x80;
	(pc) =	sbr.rel @p0 .LBB2_4-.Ltmp1, $4  }
0x57: {  	[sflag:s18] =	ssyncset.done $0x0  }
0x58: {  	[sflag:s18] =	ssyncadd.s32 $0xFFFFFF80  }
0x59: {  	_ =	swait.ge [sflag:s18], $0x180  }
0x5a: {  	[sflag:s18] =	ssyncset.done $0x0  }
0x5b: {  	[sflag:s18] =	ssyncadd.s32 $0xFFFFFE80;
	s3 =	simm.s32 $0x60C0;
	s1 =	simm.s32 $0x4940  }
0x5c: {  	s26 =	simm.s32 $0x6140;
	s7 =	simm.s32 $0x61C0;
	s6 =	simm.s32 $0x6340  }
0x5d: {  	[spmem:s19] =	stream.indirect.scatter [tilespmem:s3], [sflag:$0x8], $0x1, s1, s10, $0xb8;
	[tilespmem:$0x1A740] =	vst v63  }
0x5e: {  	s24 =	rddreg [dreg:$0x7];
	s17 =	simm.s32 $0xE740;
	s3 =	simm.s32 $0x200  }
0x5f: {  	[spmem:s28] =	stream.indirect.scatter [tilespmem:s26], [sflag:$0x8], $0x1, s1, s10, $0xb8;
	[tilespmem:$0x1A740] =	vst v63  }
.LBB2_6:
0x60: {  	s13 =	sadd.s32 $0xFFFFFF00, s6;
	s14 =	sshra.s32 s3, $0x2;
	p0 =	sne.s32 s3, $0x5C00  }
0x61: {  	[spmem:s29] =	stream.indirect.scatter [tilespmem:s7], [sflag:$0x8], $0x1, s1, s10, $0xb8;
	[tilespmem:$0x1A740] =	vst v63  }
.Ltmp2:
0x62: {  	_ = 	snop;
	(pc) =	sbr.rel @p0 .LBB2_6-.Ltmp2, $4  }
0x63: {  	s3 =	sadd.s32 $0x200, s3;
	s1 =	sadd.s32 $0x4940, s14  }
0x64: {  	[spmem:s19] =	stream.indirect.scatter [tilespmem:s13], [sflag:$0x8], $0x1, s1, s10, $0xb8;
	[tilespmem:$0x1A740] =	vst v63  }
0x65: {  	s7 =	smov.u32 s6;
	s13 =	sadd.s32 $0xFFFFFF80, s6;
	s6 =	sadd.s32 $0x180, s6  }
0x66: {  	[spmem:s28] =	stream.indirect.scatter [tilespmem:s13], [sflag:$0x8], $0x1, s1, s10, $0xb8;
	[tilespmem:$0x1A740] =	vst v63  }
0x67: {  	[spmem:s29] =	stream.indirect.scatter [tilespmem:s7], [sflag:$0x8], $0x1, s1, s10, $0xb8;
	[tilespmem:$0x1A740] =	vst v63  }
0x68: {  	_ =	swait.ge [sflag:s16], $0x80  }
0x69: {  	[sflag:s16] =	ssyncset.done $0x0  }
0x6a: {  	[sflag:s16] =	ssyncadd.s32 $0xFFFFFF80  }
0x6b: {  	_ =	swait.ge [sflag:s16], $0x80  }
0x6c: {  	[sflag:s16] =	ssyncset.done $0x0  }
0x6d: {  	[sflag:s16] =	ssyncadd.s32 $0xFFFFFF80  }
0x6e: {  	_ =	swait.ge [sflag:s16], $0x80  }
0x6f: {  	s1 =	simm.s32 $0x2E;
	[sflag:s16] =	ssyncset.done $0x0  }
.LBB2_8:
0x70: {  	p0 =	sne.s32 s1, $0x1;
	s1 =	sadd.s32 $0xFFFFFFFF, s1;
	[sflag:s16] =	ssyncadd.s32 $0xFFFFFF80  }
0x71: {  	_ =	swait.ge [sflag:s16], $0x80  }
0x72: {  	[sflag:s16] =	ssyncset.done $0x0  }
0x73: {  	[sflag:s16] =	ssyncadd.s32 $0xFFFFFF80  }
.Ltmp3:
0x74: {  	_ =	swait.ge [sflag:s16], $0x80;
	(pc) =	sbr.rel @p0 .LBB2_8-.Ltmp3, $4  }
0x75: {  	[sflag:s16] =	ssyncset.done $0x0  }
0x76: {  	[sflag:s16] =	ssyncadd.s32 $0xFFFFFF80  }
0x77: {  	_ =	swait.ge [sflag:s16], $0x80  }
0x78: {  	[sflag:s16] =	ssyncset.done $0x0  }
0x79: {  	[sflag:s16] =	ssyncadd.s32 $0xFFFFFF80  }
0x7a: {  	[bflag:$0x0] =	sbarrier.arrive $0xFFFF  }
0x7b: {  	_ =	swait.ge [sflag:s2], $0x2000  }
0x7c: {  	[sflag:s2] =	ssyncset.done $0x0  }
0x7d: {  	[sflag:s2] =	ssyncadd.s32 $0xFFFFE000  }
0x7e: {  	[tilespmem:s17], [sflag:$0x5] =	stream.indirect.gather [spmem:s19], $0x1, s11, s20, $0xb8;
	[tilespmem:$0x1A740] =	vst v63  }
0x7f: {  	_ = 	snop  }
0x80: {  	[tilespmem:s0], [sflag:$0x5] =	stream.indirect.gather [spmem:s28], $0x1, s11, s20, $0xb8;
	[tilespmem:$0x1A740] =	vst v63  }
0x81: {  	s6 =	simm.s32 $0x12740  }
0x82: {  	[tilespmem:s6], [sflag:$0x5] =	stream.indirect.gather [spmem:s29], $0x1, s11, s20, $0xb8;
	[tilespmem:$0x1A740] =	vst v63  }
0x83: {  	_ =	swait.ge [sflag:s30], $0x2000  }
0x84: {  	[sflag:s30] =	ssyncset.done $0x0  }
0x85: {  	[sflag:s30] =	ssyncadd.s32 $0xFFFFE000  }
0x86: {  	_ =	swait.ge [sflag:s30], $0x2000  }
0x87: {  	[sflag:s30] =	ssyncset.done $0x0  }
0x88: {  	[sflag:s30] =	ssyncadd.s32 $0xFFFFE000  }
0x89: {  	_ =	swait.ge [sflag:s30], $0x2000  }
0x8a: {  	[sflag:s30] =	ssyncset.done $0x0  }
0x8b: {  	s1 =	rddreg [dreg:$0xd];
	[sflag:s30] =	ssyncadd.s32 $0xFFFFE000  }
0x8c: {  	[hbm4b:s1+s5] =	stream.linear.scatter [tilespmem:s17], [sflag:$0x3], $0x2000, $0x38;
	[tilespmem:$0x1A740] =	vst v63  }
0x8d: {  	s14 =	rddreg [dreg:$0x18]  }
0x8e: {  	[hbm4b:s14+s5] =	stream.linear.scatter [tilespmem:s0], [sflag:$0x3], $0x2000, $0x38;
	[tilespmem:$0x1A740] =	vst v63  }
0x8f: {  	s26 =	rddreg [dreg:$0x19]  }
0x90: {  	[hbm4b:s26+s5] =	stream.linear.scatter [tilespmem:s6], [sflag:$0x3], $0x2000, $0x38;
	[tilespmem:$0x1A740] =	vst v63  }
0x91: {  	s2 =	rddreg [dreg:$0xe]  }
0x92: {  	[tilespmem:s11], [sflag:$0x1] =	stream.linear.gather [hbm4b:s2+s5], $0x2000, $0x38;
	[tilespmem:$0x1A740] =	vst v63  }
0x93: {  	_ =	swait.ge [sflag:s4], $0x2000  }
0x94: {  	[sflag:s4] =	ssyncset.done $0x0  }
0x95: {  	[sflag:s4] =	ssyncadd.s32 $0xFFFFE000;
	s4 =	simm.s32 $0x14740  }
0x96: {  	[tilespmem:s4], [sflag:$0x6] =	stream.indirect.gather [spmem:s19], $0x1, s12, s20, $0xb8;
	[tilespmem:$0x1A740] =	vst v63  }
0x97: {  	s14 =	simm.s32 $0x16740  }
0x98: {  	[tilespmem:s14], [sflag:$0x6] =	stream.indirect.gather [spmem:s28], $0x1, s12, s20, $0xb8;
	[tilespmem:$0x1A740] =	vst v63  }
0x99: {  	s10 =	simm.s32 $0x18740  }
0x9a: {  	[tilespmem:s10], [sflag:$0x6] =	stream.indirect.gather [spmem:s29], $0x1, s12, s20, $0xb8;
	[tilespmem:$0x1A740] =	vst v63  }
0x9b: {  	_ =	swait.ge [sflag:s21], $0x2000  }
0x9c: {  	[sflag:s21] =	ssyncset.done $0x0  }
0x9d: {  	[sflag:s21] =	ssyncadd.s32 $0xFFFFE000  }
0x9e: {  	_ =	swait.ge [sflag:s21], $0x2000  }
0x9f: {  	[sflag:s21] =	ssyncset.done $0x0  }
0xa0: {  	[sflag:s21] =	ssyncadd.s32 $0xFFFFE000  }
0xa1: {  	_ =	swait.ge [sflag:s21], $0x2000  }
0xa2: {  	[sflag:s21] =	ssyncset.done $0x0  }
0xa3: {  	s3 =	rddreg [dreg:$0xf];
	[sflag:s21] =	ssyncadd.s32 $0xFFFFE000  }
0xa4: {  	[hbm4b:s3+s5] =	stream.linear.scatter [tilespmem:s4], [sflag:$0x4], $0x2000, $0x38;
	[tilespmem:$0x1A740] =	vst v63  }
0xa5: {  	s7 =	rddreg [dreg:$0x1a]  }
0xa6: {  	[hbm4b:s7+s5] =	stream.linear.scatter [tilespmem:s14], [sflag:$0x4], $0x2000, $0x38;
	[tilespmem:$0x1A740] =	vst v63  }
0xa7: {  	s9 =	rddreg [dreg:$0x1b]  }
0xa8: {  	[hbm4b:s9+s5] =	stream.linear.scatter [tilespmem:s10], [sflag:$0x4], $0x2000, $0x38;
	[tilespmem:$0x1A740] =	vst v63  }
0xa9: {  	s13 =	rddreg [dreg:$0x10]  }
0xaa: {  	[tilespmem:s12], [sflag:$0x2] =	stream.linear.gather [hbm4b:s13+s5], $0x2000, $0x38;
	[tilespmem:$0x1A740] =	vst v63  }
0xab: {  	_ =	swait.ge [sflag:s31], $0x2000  }
0xac: {  	[sflag:s31] =	ssyncset.done $0x0  }
0xad: {  	[sflag:s31] =	ssyncadd.s32 $0xFFFFE000  }
0xae: {  	_ =	swait.ge [sflag:s22], $0x2000  }
0xaf: {  	[sflag:s22] =	ssyncset.done $0x0  }
0xb0: {  	[sflag:s22] =	ssyncadd.s32 $0xFFFFE000  }
0xb1: {  	_ =	swait.ge [sflag:s22], $0x2000  }
0xb2: {  	[sflag:s22] =	ssyncset.done $0x0  }
0xb3: {  	[sflag:s22] =	ssyncadd.s32 $0xFFFFE000  }
0xb4: {  	_ =	swait.ge [sflag:s22], $0x2000  }
0xb5: {  	[sflag:s22] =	ssyncset.done $0x0  }
0xb6: {  	[sflag:s22] =	ssyncadd.s32 $0xFFFFE000  }
0xb7: {  	[tilespmem:s17], [sflag:$0x5] =	stream.indirect.gather [spmem:s19], $0x1, s11, s20, $0xb8;
	[tilespmem:$0x1A740] =	vst v63  }
0xb8: {  	_ = 	snop  }
0xb9: {  	[tilespmem:s0], [sflag:$0x5] =	stream.indirect.gather [spmem:s28], $0x1, s11, s20, $0xb8;
	[tilespmem:$0x1A740] =	vst v63  }
0xba: {  	_ = 	snop  }
0xbb: {  	[tilespmem:s6], [sflag:$0x5] =	stream.indirect.gather [spmem:s29], $0x1, s11, s20, $0xb8;
	[tilespmem:$0x1A740] =	vst v63  }
0xbc: {  	_ =	swait.ge [sflag:s30], $0x2000  }
0xbd: {  	[sflag:s30] =	ssyncset.done $0x0  }
0xbe: {  	[sflag:s30] =	ssyncadd.s32 $0xFFFFE000  }
0xbf: {  	_ =	swait.ge [sflag:s30], $0x2000  }
0xc0: {  	[sflag:s30] =	ssyncset.done $0x0  }
0xc1: {  	[sflag:s30] =	ssyncadd.s32 $0xFFFFE000  }
0xc2: {  	s26 =	simm.s32 $0x2;
	_ =	swait.ge [sflag:s30], $0x2000  }
0xc3: {  	s3 =	smin.u32 s26, $0xA;
	[sflag:s30] =	ssyncset.done $0x0  }
0xc4: {  	s3 =	sshll.u32 s3, $0xD;
	s13 =	rddreg [dreg:$0x12];
	[sflag:s30] =	ssyncadd.s32 $0xFFFFE000  }
0xc5: {  	[hbm4b:s13+s5] =	stream.linear.scatter [tilespmem:s17], [sflag:$0x3], $0x2000, $0x38;
	[tilespmem:$0x1A740] =	vst v63  }
0xc6: {  	s3 =	sadd.s32 s3, s25;
	s9 =	rddreg [dreg:$0x13]  }
0xc7: {  	[hbm4b:s9+s5] =	stream.linear.scatter [tilespmem:s0], [sflag:$0x3], $0x2000, $0x38;
	[tilespmem:$0x1A740] =	vst v63  }
0xc8: {  	s3 =	sshrl.u32 s3, $0x3;
	s7 =	rddreg [dreg:$0x14]  }
0xc9: {  	[hbm4b:s7+s5] =	stream.linear.scatter [tilespmem:s6], [sflag:$0x3], $0x2000, $0x38;
	[tilespmem:$0x1A740] =	vst v63  }
0xca: {  	s2 =	simm.s32 $0x2;
	s3 =	sadd.s32 s8, s3  }
0xcb: {  	[tilespmem:s11], [sflag:$0x1] =	stream.linear.gather [hbm4b:s3+s5], $0x2000, $0x38;
	[tilespmem:$0x1A740] =	vst v63  }
0xcc: {  	_ =	swait.ge [sflag:s2], $0x2000  }
0xcd: {  	[sflag:s2] =	ssyncset.done $0x0  }
0xce: {  	[sflag:s2] =	ssyncadd.s32 $0xFFFFE000  }
0xcf: {  	_ =	swait.ge [sflag:s23], $0x2000  }
0xd0: {  	[sflag:s23] =	ssyncset.done $0x0  }
0xd1: {  	[sflag:s23] =	ssyncadd.s32 $0xFFFFE000  }
0xd2: {  	_ =	swait.ge [sflag:s23], $0x2000  }
0xd3: {  	[sflag:s23] =	ssyncset.done $0x0  }
0xd4: {  	[sflag:s23] =	ssyncadd.s32 $0xFFFFE000  }
0xd5: {  	_ =	swait.ge [sflag:s23], $0x2000  }
0xd6: {  	[sflag:s23] =	ssyncset.done $0x0  }
0xd7: {  	[sflag:s23] =	ssyncadd.s32 $0xFFFFE000  }
0xd8: {  	[tilespmem:s4], [sflag:$0x6] =	stream.indirect.gather [spmem:s19], $0x1, s12, s20, $0xb8;
	[tilespmem:$0x1A740] =	vst v63  }
0xd9: {  	_ = 	snop  }
0xda: {  	[tilespmem:s14], [sflag:$0x6] =	stream.indirect.gather [spmem:s28], $0x1, s12, s20, $0xb8;
	[tilespmem:$0x1A740] =	vst v63  }
0xdb: {  	_ = 	snop  }
0xdc: {  	[tilespmem:s10], [sflag:$0x6] =	stream.indirect.gather [spmem:s29], $0x1, s12, s20, $0xb8;
	[tilespmem:$0x1A740] =	vst v63  }
0xdd: {  	_ =	swait.ge [sflag:s21], $0x2000  }
0xde: {  	[sflag:s21] =	ssyncset.done $0x0  }
0xdf: {  	[sflag:s21] =	ssyncadd.s32 $0xFFFFE000  }
0xe0: {  	_ =	swait.ge [sflag:s21], $0x2000  }
0xe1: {  	s1 =	smin.u32 s26, $0x9;
	s10 =	simm.s32 $0x3;
	[sflag:s21] =	ssyncset.done $0x0  }
0xe2: {  	s1 =	sshll.u32 s1, $0xD;
	s3 =	smin.u32 s10, $0xC;
	[sflag:s21] =	ssyncadd.s32 $0xFFFFE000  }
0xe3: {  	s13 =	sadd.s32 $0x800, s13;
	s3 =	sshll.u32 s3, $0xD;
	_ =	swait.ge [sflag:s21], $0x2000  }
0xe4: {  	s6 =	sadd.s32 $0x800, s9;
	s3 =	sadd.s32 s24, s3;
	[sflag:s21] =	ssyncset.done $0x0  }
0xe5: {  	s10 =	smov.u32 s24;
	s3 =	sshrl.u32 s3, $0x3;
	s24 =	rddreg [dreg:$0x2]  }
0xe6: {  	s12 =	rddreg [dreg:$0x5];
	[sflag:s21] =	ssyncadd.s32 $0xFFFFE000;
	s11 =	sadd.s32 s24, s3  }
0xe7: {  	[hbm4b:s11+s5] =	stream.linear.scatter [tilespmem:s4], [sflag:$0x4], $0x2000, $0x38;
	[tilespmem:$0x1A740] =	vst v63  }
0xe8: {  	s9 =	smov.u32 s10;
	s3 =	sadd.s32 s1, s12;
	s26 =	sadd.s32 $0x61A80, s11  }
0xe9: {  	[hbm4b:s26+s5] =	stream.linear.scatter [tilespmem:s14], [sflag:$0x4], $0x2000, $0x38;
	[tilespmem:$0x1A740] =	vst v63  }
0xea: {  	s1 =	simm.s32 $0x5;
	s12 =	simm.s32 $0xA740;
	s14 =	sshrl.u32 s3, $0x3  }
0xeb: {  	s3 =	sadd.s32 $0x800, s7;
	s7 =	sadd.s32 $0xC3500, s11;
	s26 =	simm.s32 $0xC740  }
.LBB2_10:
0xec: {  	s10 =	simm.s32 $0x18740  }
0xed: {  	[hbm4b:s7+s5] =	stream.linear.scatter [tilespmem:s10], [sflag:$0x4], $0x2000, $0x38;
	[tilespmem:$0x1A740] =	vst v63  }
0xee: {  	s14 =	sadd.s32 s8, s14  }
0xef: {  	[tilespmem:s26], [sflag:$0x2] =	stream.linear.gather [hbm4b:s14+s5], $0x2000, $0x38;
	[tilespmem:$0x1A740] =	vst v63  }
0xf0: {  	_ =	swait.ge [sflag:s31], $0x2000  }
0xf1: {  	[sflag:s31] =	ssyncset.done $0x0  }
0xf2: {  	[sflag:s31] =	ssyncadd.s32 $0xFFFFE000  }
0xf3: {  	_ =	swait.ge [sflag:s22], $0x2000  }
0xf4: {  	[sflag:s22] =	ssyncset.done $0x0  }
0xf5: {  	[sflag:s22] =	ssyncadd.s32 $0xFFFFE000  }
0xf6: {  	_ =	swait.ge [sflag:s22], $0x2000  }
0xf7: {  	[sflag:s22] =	ssyncset.done $0x0  }
0xf8: {  	[sflag:s22] =	ssyncadd.s32 $0xFFFFE000  }
0xf9: {  	_ =	swait.ge [sflag:s22], $0x2000  }
0xfa: {  	[sflag:s22] =	ssyncset.done $0x0  }
0xfb: {  	[sflag:s22] =	ssyncadd.s32 $0xFFFFE000  }
0xfc: {  	[tilespmem:s17], [sflag:$0x5] =	stream.indirect.gather [spmem:s19], $0x1, s12, s20, $0xb8;
	[tilespmem:$0x1A740] =	vst v63  }
0xfd: {  	_ = 	snop  }
0xfe: {  	[tilespmem:s0], [sflag:$0x5] =	stream.indirect.gather [spmem:s28], $0x1, s12, s20, $0xb8;
	[tilespmem:$0x1A740] =	vst v63  }
0xff: {  	s4 =	simm.s32 $0x12740  }
0x100: {  	[tilespmem:s4], [sflag:$0x5] =	stream.indirect.gather [spmem:s29], $0x1, s12, s20, $0xb8;
	[tilespmem:$0x1A740] =	vst v63  }
0x101: {  	_ =	swait.ge [sflag:s30], $0x2000  }
0x102: {  	[sflag:s30] =	ssyncset.done $0x0  }
0x103: {  	[sflag:s30] =	ssyncadd.s32 $0xFFFFE000  }
0x104: {  	_ =	swait.ge [sflag:s30], $0x2000  }
0x105: {  	[sflag:s30] =	ssyncset.done $0x0  }
0x106: {  	[sflag:s30] =	ssyncadd.s32 $0xFFFFE000  }
0x107: {  	s7 =	smov.u32 s1;
	_ =	swait.ge [sflag:s30], $0x2000  }
0x108: {  	s0 =	sadd.s32 $0xFFFFFFFF, s7;
	[sflag:s30] =	ssyncset.done $0x0  }
0x109: {  	s17 =	simm.s32 $0xE740;
	s11 =	smin.u32 s0, $0xA;
	[sflag:s30] =	ssyncadd.s32 $0xFFFFE000  }
0x10a: {  	[hbm4b:s13+s5] =	stream.linear.scatter [tilespmem:s17], [sflag:$0x3], $0x2000, $0x38;
	[tilespmem:$0x1A740] =	vst v63  }
0x10b: {  	s17 =	sshll.u32 s11, $0xD  }
0x10c: {  	s14 =	smin.u32 s0, $0x9;
	s0 =	simm.s32 $0x10740;
	s17 =	sadd.s32 s17, s25  }
0x10d: {  	[hbm4b:s6+s5] =	stream.linear.scatter [tilespmem:s0], [sflag:$0x3], $0x2000, $0x38;
	[tilespmem:$0x1A740] =	vst v63  }
0x10e: {  	s17 =	sshrl.u32 s17, $0x3  }
0x10f: {  	[hbm4b:s3+s5] =	stream.linear.scatter [tilespmem:s4], [sflag:$0x3], $0x2000, $0x38;
	[tilespmem:$0x1A740] =	vst v63  }
0x110: {  	s17 =	sadd.s32 s8, s17  }
0x111: {  	[tilespmem:s12], [sflag:$0x1] =	stream.linear.gather [hbm4b:s17+s5], $0x2000, $0x38;
	[tilespmem:$0x1A740] =	vst v63  }
0x112: {  	s11 =	rddreg [dreg:$0x5];
	_ =	swait.ge [sflag:s2], $0x2000  }
0x113: {  	[sflag:s2] =	ssyncset.done $0x0  }
0x114: {  	[sflag:s2] =	ssyncadd.s32 $0xFFFFE000  }
0x115: {  	_ =	swait.ge [sflag:s23], $0x2000  }
0x116: {  	[sflag:s23] =	ssyncset.done $0x0  }
0x117: {  	[sflag:s23] =	ssyncadd.s32 $0xFFFFE000  }
0x118: {  	_ =	swait.ge [sflag:s23], $0x2000  }
0x119: {  	[sflag:s23] =	ssyncset.done $0x0  }
0x11a: {  	[sflag:s23] =	ssyncadd.s32 $0xFFFFE000  }
0x11b: {  	_ =	swait.ge [sflag:s23], $0x2000  }
0x11c: {  	[sflag:s23] =	ssyncset.done $0x0  }
0x11d: {  	s17 =	simm.s32 $0x14740;
	[sflag:s23] =	ssyncadd.s32 $0xFFFFE000  }
0x11e: {  	[tilespmem:s17], [sflag:$0x6] =	stream.indirect.gather [spmem:s19], $0x1, s26, s20, $0xb8;
	[tilespmem:$0x1A740] =	vst v63  }
0x11f: {  	_ = 	snop  }
0x120: {  	[tilespmem:s15], [sflag:$0x6] =	stream.indirect.gather [spmem:s28], $0x1, s26, s20, $0xb8;
	[tilespmem:$0x1A740] =	vst v63  }
0x121: {  	_ = 	snop  }
0x122: {  	[tilespmem:s10], [sflag:$0x6] =	stream.indirect.gather [spmem:s29], $0x1, s26, s20, $0xb8;
	[tilespmem:$0x1A740] =	vst v63  }
0x123: {  	_ =	swait.ge [sflag:s21], $0x2000  }
0x124: {  	s7 =	smin.u32 s7, $0xC;
	[sflag:s21] =	ssyncset.done $0x0  }
0x125: {  	p0 =	sne.s32 s1, $0xD;
	s7 =	sshll.u32 s7, $0xD;
	[sflag:s21] =	ssyncadd.s32 $0xFFFFE000  }
0x126: {  	s1 =	sadd.s32 $0x2, s1;
	s7 =	sadd.s32 s9, s7;
	_ =	swait.ge [sflag:s21], $0x2000  }
0x127: {  	s14 =	sshll.u32 s14, $0xD;
	s7 =	sshrl.u32 s7, $0x3;
	[sflag:s21] =	ssyncset.done $0x0  }
0x128: {  	s7 =	sadd.s32 s24, s7;
	s13 =	sadd.s32 $0x800, s13;
	[sflag:s21] =	ssyncadd.s32 $0xFFFFE000  }
0x129: {  	s14 =	sadd.s32 s14, s11;
	s11 =	simm.s32 $0x18740;
	_ =	swait.ge [sflag:s21], $0x2000  }
.Ltmp4:
0x12a: {  	s14 =	sshrl.u32 s14, $0x3;
	[sflag:s21] =	ssyncset.done $0x0;
	(pc) =	sbr.rel @p0 .LBB2_10-.Ltmp4, $4  }
0x12b: {  	s6 =	sadd.s32 $0x800, s6;
	s3 =	sadd.s32 $0x800, s3;
	[sflag:s21] =	ssyncadd.s32 $0xFFFFE000  }
0x12c: {  	[hbm4b:s7+s5] =	stream.linear.scatter [tilespmem:s17], [sflag:$0x4], $0x2000, $0x38;
	[tilespmem:$0x1A740] =	vst v63  }
0x12d: {  	s10 =	sadd.s32 $0x61A80, s7;
	s17 =	simm.s32 $0xE740;
	s7 =	sadd.s32 $0xC3500, s7  }
0x12e: {  	[hbm4b:s10+s5] =	stream.linear.scatter [tilespmem:s15], [sflag:$0x4], $0x2000, $0x38;
	[tilespmem:$0x1A740] =	vst v63  }
0x12f: {  	[hbm4b:s7+s5] =	stream.linear.scatter [tilespmem:s11], [sflag:$0x4], $0x2000, $0x38;
	[tilespmem:$0x1A740] =	vst v63  }
0x130: {  	s1 =	sadd.s32 s8, s14  }
0x131: {  	[tilespmem:s26], [sflag:$0x2] =	stream.linear.gather [hbm4b:s1+s5], $0x2000, $0x38;
	[tilespmem:$0x1A740] =	vst v63  }
0x132: {  	_ =	swait.ge [sflag:s31], $0x2000  }
0x133: {  	[sflag:s31] =	ssyncset.done $0x0  }
0x134: {  	[sflag:s31] =	ssyncadd.s32 $0xFFFFE000  }
0x135: {  	_ =	swait.ge [sflag:s22], $0x2000  }
0x136: {  	[sflag:s22] =	ssyncset.done $0x0  }
0x137: {  	[sflag:s22] =	ssyncadd.s32 $0xFFFFE000  }
0x138: {  	_ =	swait.ge [sflag:s22], $0x2000  }
0x139: {  	[sflag:s22] =	ssyncset.done $0x0  }
0x13a: {  	[sflag:s22] =	ssyncadd.s32 $0xFFFFE000  }
0x13b: {  	_ =	swait.ge [sflag:s22], $0x2000  }
0x13c: {  	[sflag:s22] =	ssyncset.done $0x0  }
0x13d: {  	[sflag:s22] =	ssyncadd.s32 $0xFFFFE000  }
0x13e: {  	_ =	swait.ge [sflag:s2], $0x2000  }
0x13f: {  	[sflag:s2] =	ssyncset.done $0x0  }
0x140: {  	[sflag:s2] =	ssyncadd.s32 $0xFFFFE000  }
0x141: {  	_ =	swait.ge [sflag:s23], $0x2000  }
0x142: {  	[sflag:s23] =	ssyncset.done $0x0  }
0x143: {  	[sflag:s23] =	ssyncadd.s32 $0xFFFFE000  }
0x144: {  	_ =	swait.ge [sflag:s23], $0x2000  }
0x145: {  	[sflag:s23] =	ssyncset.done $0x0  }
0x146: {  	[sflag:s23] =	ssyncadd.s32 $0xFFFFE000  }
0x147: {  	_ =	swait.ge [sflag:s23], $0x2000  }
0x148: {  	s3 =	rddreg [dreg:$0x1d]  }
0x149: {  	s26 =	rddreg [dreg:$0x11];
	s3 =	sadd.s32 $0x1, s3  }
0x14a: {  	p0 =	sne.s32 s3, s26  }
.Ltmp5:
0x14b: {  	_ = 	snop;
	(pc) =	sbr.rel @p0 .LBB2_1-.Ltmp5, $4  }
0x14c: {  	[sflag:s23] =	ssyncset.done $0x0  }
0x14d: {  	s7 =	simm.s32 $0x17318;
	s4 =	simm.s32 $0x2;
	[sflag:s23] =	ssyncadd.s32 $0xFFFFE000  }
0x14e: {  	s11 =	simm.s32 $0xA740;
	s12 =	simm.s32 $0xC740;
	s14 =	rddreg [dreg:$0x1]  }
0x14f: {  	s10 =	simm.s32 $0x80;
	s2 =	simm.s32 $0x1;
	s26 =	rddreg [dreg:$0x1c]  }
0x150: {  	_ =	sfence.sel $0x180000  }
0x151: {  	[bflag:$0x0] =	sbarrier.arrive $0xFFFF  }
0x152: {  	_ =	strace $0x90000047  }
0x153: {  	s0 =	stileid.u32;
	[bflag:$0x2] =	sbarrier.arrive $0xFFFF  }
0x154: {  	p0 =	sne.s32 s0, $0x0;
	s0 =	rddreg [dreg:$0x4]  }
0x155: {  	s0 =	sadd.s32 @!p0 $0x100000, s0  }
0x156: {  	[sflag:s0] =	ssyncadd.tile.s32 @!p0 $0x1;
	_ =	shalt  }
.Lfunc_end2:
_tile_overlayer_lowered:
.L_overlay_start_2:
0x157: {  	(tag) =	ssettag $0x2  }
0x158: {  	s0 =	rddreg [dreg:$0x0];
	s2 =	stileid.u32  }
0x159: {  	s1 =	rddreg [dreg:$0x1];
	p0 =	sne.s32 s2, $0x0  }
0x15a: {  	s3 =	rddreg [dreg:$0x2];
	[bflag:$0x3] =	sbarrier.arrive $0xFFFF;
	s2 =	simm.s32 @!p0 $0x1C09  }
0x15b: {  	[timem:s3], [sflag:s2] =	dma.local @!p0 [hbm:s0], s1  }
0x15c: {  	s0 =	simm.s32 @!p0 $0x9  }
0x15d: {  	_ =	swait.ge @!p0 [sflag:s0], s1  }
0x15e: {  	s1 =	ssub.s32 @!p0 $0x0, s1;
	[sflag:s0] =	ssyncset.done @!p0 $0x0  }
0x15f: {  	[sflag:s0] =	ssyncadd.s32 @!p0 s1  }
0x160: {  	[bflag:$0x3] =	sbarrier.arrive $0xFFFF  }
0x161: {  	_ =	shalt  }

// kernel: sparse-core-data-format-call.cloned.1.call-start
scs
called_computation_lowered:
.L_overlay_start_0:
0x0: {  	s2 =	sld [smem:$0x3FD9]  }
0x1: {  	s3 =	sld [smem:$0x3FFE];
	_ =	sdelay $0x1  }
0x2: {  	s1 =	srdreg.scid  }
0x3: {  	s0 =	sand.u32 $0x1, s1  }
0x4: {  	s18 =	sshll.u32 s0, $0xA;
	s2 =	sadd.s32 s3, s2  }
0x5: {  	s2 =	sadd.s32 s2, s18  }
0x6: {  	[smem:$0x3FC4] =	sst s2  }
0x7: {  	_ = 	snop  }
0x8: {  	s2 =	sld [smem:$0x3FD0];
	(tm) =	ssettm $0x1  }
0x9: {  	s19 =	sld [smem:$0x3FFB];
	_ =	sdelay $0x3  }
0xa: {  	_ =	strace s19  }
0xb: {  	s3 =	sld [smem:$0x3FFC];
	_ =	sdelay $0x3  }
0xc: {  	_ =	strace s3  }
0xd: {  	s3 =	sld [smem:$0x3FFD];
	_ =	sdelay $0x3  }
0xe: {  	_ =	strace s3  }
0xf: {  	_ =	strace $0x8FFFFFFF  }
0x10: {  	s20 =	sld [smem:$0x3FDB];
	_ =	sdelay $0x1  }
0x11: {  	s4 =	simm.s32 $_scs_section_size  }
0x12: {  	s5 =	simm.s32 $_size__tile_overlayer_lowered;
	s6 =	simm.s32 $_tile_overlayer_lowered  }
0x13: {  	s23 =	simm.s32 $0x1BFF;
	s22 =	sshll.u32 s6, $0x1;
	s3 =	sadd.s32 s4, s20  }
0x14: {  	s7 =	simm.s32 $0x0;
	s21 =	sshll.u32 s5, $0x1;
	s5 =	sadd.s32 s22, s3  }
0x15: {  	[timem:s7], [sflag:s23] =	dma.local [hbm:s5], s21  }
0x16: {  	_ =	swait.ge [sflag:s23], s21  }
0x17: {  	s4 =	ssub.s32 $0x0, s21;
	[sflag:s23] =	ssyncset.done $0x0  }
0x18: {  	[sflag:s23] =	ssyncadd.s32 s4;
	_ =	sdelay $0x1  }
0x19: {  	s24 =	simm.s32 $0x1B8B  }
0x1a: {  	_ =	swait.ge [sflag:s24], $0x1  }
0x1b: {  	[sflag:s24] =	ssyncset.done $0x0  }
0x1c: {  	s26 =	simm.s32 $0x1B8E;
	s25 =	sld [smem:$0x3FFE];
	[sflag:s24] =	ssyncadd.s32 $0xFFFFFFFF  }
0x1d: {  	s27 =	simm.s32 $execute0_lowered;
	[smem:$0x3FD2] =	sst s26  }
0x1e: {  	s5 =	sshll.u32 s27, $0x1;
	_ =	strace $0x80000049;
	[dreg:$0x1] =	wrdreg $0xFFFFFFFF  }
0x1f: {  	s28 =	simm.s32 $_size_execute0_lowered;
	s3 =	sadd.s32 s3, s5;
	[dreg:$0x0] =	wrdreg $0x0  }
0x20: {  	s5 =	sshll.u32 s28, $0x1;
	[dreg:$0x2] =	wrdreg s3  }
0x21: {  	[dreg:$0x3] =	wrdreg s5  }
0x22: {  	[dreg:$0x4] =	wrdreg $0xC0  }
0x23: {  	_ =	task [dreg:s7], $0x5FFFF  }
0x24: {  	[dreg:$0x1] =	wrdreg $0xFFFFFFFF  }
0x25: {  	[dreg:$0x0] =	wrdreg $0x60  }
0x26: {  	[dreg:$0x2] =	wrdreg s2  }
0x27: {  	[dreg:$0x3] =	wrdreg s25  }
0x28: {  	[dreg:$0x4] =	wrdreg $0x9  }
0x29: {  	_ =	task.clear_ibuf [dreg:s7], $0x5FFFF;
	_ =	strace $0x90000049  }
0x2a: {  	s29 =	simm.s32 $0x9;
	_ =	strace $0x8000004B  }
0x2b: {  	_ =	swait.ge [sflag:s29], $0x1  }
0x2c: {  	[sflag:s29] =	ssyncadd.s32 $0xFFFFFFFF  }
0x2d: {  	_ =	strace $0x9000004B  }
0x2e: {  	_ =	sfence  }
0x2f: {  	s30 =	sld [smem:$0x0];
	_ =	sdelay $0x2  }
0x30: {  	s31 =	sshll.u32 s1, $0xD;
	s1 =	sshrl.u32 s1, $0x2  }
0x31: {  	s3 =	sand.u32 $0x4000, s31;
	s1 =	sadd.s32 s1, s30  }
0x32: {  	s0 =	sor.u32 s3, s0;
	s1 =	sshll.u32 s1, $0x11  }
0x33: {  	s0 =	sor.u32 s1, s0  }
0x34: {  	s0 =	sadd.s32 $0x8F2B, s0  }
0x35: {  	[sflag:s0] =	ssyncadd.remote.s32 $0x1  }
0x36: {  	_ =	sfence.sel $0xFFFF  }
0x37: {  	[dreg:$0x0] =	wrdreg $0xFFFFFFFF;
	(pc) =	sbr.abs _section_cstart, $3  }
0x38: {  	[dreg:$0x1] =	wrdreg $0xFFFFFFFF  }
0x39: {  	_ =	task.clear_ibuf [dreg:s7], $0x2FFFF;
	_ =	strace $0x9FFFFFFF  }
0x3a: {  	(tm) =	ssettm $0x7FFFFFFF  }
0x3b: {  	_ =	shalt  }
tec
execute0_lowered:
.L_overlay_start_1:
0x0: {  	(tag) =	ssettag $0x1  }
0x1: {  	s7 =	rddreg [dreg:$0x0]  }
0x2: {  	s0 =	stileid.u32;
	s1 =	srdreg.scid  }
0x3: {  	s5 =	rddreg [dreg:$0x1];
	s8 =	simm.s32 $0x2;
	s10 =	simm.s32 $0x0  }
0x4: {  	s16 =	simm.s32 $0x0;
	s17 =	simm.s32 $0x0;
	s18 =	simm.s32 $0x0  }
0x5: {  	s11 =	simm.s32 $0x0;
	s12 =	simm.s32 $0x0;
	s14 =	simm.s32 $0x0  }
0x6: {  	s15 =	simm.s32 $0x0;
	s26 =	simm.s32 $0x0;
	s2 =	sshll.u32 s1, $0x4  }
0x7: {  	s3 =	sshll.u32 s0, $0x7;
	s1 =	rddreg [dreg:$0x2];
	_ =	strace $0x8000004A  }
0x8: {  	s5 =	sadd.s32 $0x800, s5;
	s4 =	sand.u32 $0x10, s2;
	s2 =	sand.u32 $0x380, s3  }
.Ltmp0:
0x9: {  	s30 =	sor.u32 s0, s4;
	s6 =	ssub.s32 $0x1800, s2;
	(pc) =	sbr.rel .LBB1_1-.Ltmp0, $4  }
0xa: {  	s4 =	simm.s32 $0x1;
	s3 =	sshrl.u32 s30, $0x3;
	s6 =	sshrl.u32 s6, $0xA  }
0xb: {  	[sflag:s4] =	ssyncpa.u1 $0x0;
	s9 =	smul.u32 $0x3, s6;
	s31 =	sshll.u32 s3, $0x4  }
0xc: {  	s13 =	smov.u32 s2;
	[sflag:s8] =	ssyncpa.u1 $0x0;
	s7 =	sadd.s32 s7, s31  }
0xd: {  	s6 =	sadd.s32 $0x3, s9;
	s8 =	sadd.s32 $0x4, s9;
	s9 =	simm.s32 $0x0  }
.LBB1_10:
0xe: {  	s22 =	sand.u32 $0x1FFFFFF, s11;
	p0 =	sgt.s32 s11, $0x17F0;
	s24 =	smov.u32 s11  }
0xf: {  	s23 =	smulhi.u32 $0x29E71ED, s22;
	s24 =	simm.s32 @!p0 $0x17F0  }
0x10: {  	s19 =	sadd.s32 s19, s24  }
0x11: {  	s29 =	smul.u32 $0x61C00, s12;
	s23 =	sshrl.u32 s23, $0x6;
	s24 =	sadd.s32 $0xFFFFE810, s19  }
0x12: {  	s19 =	ssub.s32 $0x1870, s19;
	s23 =	smul.u32 $0x1870, s23;
	p0 =	sgt.s32 s24, $0x7F  }
0x13: {  	s18 =	smul.u32 $0x18700, s18;
	s19 =	simm.s32 @p0 $0x0  }
0x14: {  	s30 =	sadd.s32 s5, s29;
	s22 =	ssub.s32 s22, s23;
	s19 =	smul.u32 s19, s20  }
0x15: {  	s18 =	sadd.s32 s18, s30;
	s22 =	sshll.u32 s22, $0x4  }
0x16: {  	s31 =	sor.u32 $0x8000, s21;
	s19 =	sand.u32 $0x3FFFFF80, s19;
	s18 =	sadd.s32 s22, s18  }
0x17: {  	[hbm4b:s18+s9] =	stream.linear.scatter [tilespmem:s31], [sflag:$0x2], s19, $0x38;
	[tilespmem:$0x10000] =	vst v63  }
.LBB1_11:
0x18: {  	p0 =	slt.u32 s15, $0x2  }
0x19: {  	p1 =	sgt.s32 @!p0 s17, $0x2  }
0x1a: {  	s18 =	smov.u32 s17;
	s19 =	sshra.s32 @!p0 s17, $0x1F;
	p1 =	por !p1, p0  }
0x1b: {  	s20 =	sshra.s32 @!p0 s16, $0x1F;
	s18 =	simm.s32 @p1 $0x2;
	p1 =	sgt.s32 @!p0 s16, $0x17F0  }
0x1c: {  	s17 =	sand.u32 @!p0 s19, s17;
	s19 =	smov.u32 s16;
	p1 =	por !p1, p0  }
0x1d: {  	s16 =	sand.u32 @!p0 s20, s16;
	s17 =	ssub.s32 @!p0 s18, s17;
	s19 =	simm.s32 @p1 $0x17F0  }
0x1e: {  	s17 =	sadd.s32 @!p0 $0xFFFFFFFE, s17;
	s16 =	ssub.s32 @!p0 s19, s16  }
0x1f: {  	p1 =	sgt.s32 @!p0 s17, $0x0;
	s18 =	sadd.s32 @!p0 $0xFFFFE810, s16  }
0x20: {  	s17 =	sshll.u32 @!p0 s17, $0x7;
	s16 =	ssub.s32 @!p0 $0x1870, s16;
	p2 =	sgt.s32 @!p0 s18, $0x7F  }
0x21: {  	s17 =	ssub.s32 @!p0 $0x80, s17;
	p1 =	por !p1, p0;
	p2 =	por !p2, p0  }
0x22: {  	s19 =	sadd.s32 $0x400, s13;
	s17 =	simm.s32 @!p1 $0x0;
	s16 =	simm.s32 @!p2 $0x0  }
0x23: {  	p1 =	sgt.s32 s19, $0x1869;
	s16 =	smul.u32 @!p0 s16, s17;
	s17 =	simm.s32 $0x1  }
0x24: {  	s17 =	simm.s32 @!p1 $0x0  }
0x25: {  	s21 =	sadd.s32 s17, s14  }
0x26: {  	s19 =	smov.u32 @p1 s2;
	p1 =	sgt.s32 s21, $0x2  }
0x27: {  	s10 =	sadd.s32 $0x4000, s10;
	s21 =	simm.s32 @p1 $0x0;
	p1 =	sne.s32 s15, s8  }
.Ltmp1:
0x28: {  	s18 =	simm.s32 @!p0 $0x2;
	s16 =	sand.u32 @!p0 $0x3FFFFF80, s16;
	(pc) =	sbr.rel @!p1 .LBB1_12-.Ltmp1, $4  }
0x29: {  	s17 =	smov.u32 s12;
	s12 =	smov.u32 s14;
	_ =	swait.ge @!p0 [sflag:s18], s16  }
0x2a: {  	s20 =	ssub.s32 @!p0 $0x0, s16;
	s16 =	smov.u32 s11;
	s11 =	smov.u32 s13  }
0x2b: {  	s13 =	smov.u32 s19;
	[sflag:s18] =	ssyncset.done @!p0 $0x0;
	s15 =	sadd.s32 $0x1, s15  }
0x2c: {  	[sflag:s18] =	ssyncadd.s32 @!p0 s20;
	s18 =	smov.u32 s3;
	s14 =	smov.u32 s21  }
.LBB1_1:
0x2d: {  	p0 =	sge.u32 s15, s6  }
0x2e: {  	p1 =	sgt.s32 @!p0 s14, $0x2  }
0x2f: {  	s19 =	smov.u32 s14;
	s21 =	smov.u32 s13;
	p1 =	por !p1, p0  }
0x30: {  	s20 =	sshra.s32 @!p0 s14, $0x1F;
	s19 =	simm.s32 @p1 $0x2;
	p1 =	sgt.s32 @!p0 s13, $0x17EA  }
0x31: {  	s22 =	sshra.s32 @!p0 s13, $0x1F;
	s20 =	sand.u32 @!p0 s20, s14;
	p1 =	por !p1, p0  }
0x32: {  	s19 =	ssub.s32 @!p0 s19, s20;
	s20 =	sand.u32 @!p0 s22, s13;
	s21 =	simm.s32 @p1 $0x17EA  }
0x33: {  	s19 =	sadd.s32 @!p0 $0xFFFFFFFE, s19;
	s20 =	ssub.s32 @!p0 s21, s20  }
0x34: {  	p1 =	sgt.s32 @!p0 s19, $0x0;
	s21 =	sadd.s32 @!p0 $0xFFFFE816, s20  }
0x35: {  	s19 =	sshll.u32 @!p0 s19, $0x7;
	s20 =	ssub.s32 @!p0 $0x186A, s20;
	p2 =	sgt.s32 @!p0 s21, $0x7F  }
0x36: {  	s19 =	ssub.s32 @!p0 $0x80, s19;
	p1 =	por !p1, p0;
	p2 =	por !p2, p0  }
0x37: {  	s19 =	simm.s32 @!p1 $0x0;
	s20 =	simm.s32 @!p2 $0x0  }
0x38: {  	s21 =	sxor.u32 @!p0 $0xFFFFFFFF, s15;
	s19 =	smul.u32 @!p0 s20, s19  }
0x39: {  	s20 =	sshll.u32 @!p0 s21, $0xE;
	s21 =	smul.u32 @!p0 $0x61A80, s14  }
0x3a: {  	s23 =	simm.s32 @!p0 $0x200  }
0x3b: {  	s22 =	sshll.u32 @!p0 s13, $0x6;
	s20 =	sand.u32 @!p0 $0x4000, s20;
	s21 =	sadd.s32 @!p0 s21, s7  }
0x3c: {  	s19 =	sand.u32 @!p0 $0x3FFFFF80, s19;
	s21 =	sadd.s32 @!p0 s22, s21;
	s22 =	simm.s32 @!p0 $0x80  }
0x3d: {  	[tilespmem:s20], [sflag:$0x1] =	stream.strided.gather @!p0 [hbm4b:s21+s22], s19, s23, s22, $0x38;
	[tilespmem:$0x10000] =	vst v63  }
0x3e: {  	p0 =	seq.s32 s15, $0x0  }
0x3f: {  	p1 =	sge.u32 @!p0 s15, s8  }
0x40: {  	p0 =	por p0, p1  }
.Ltmp2:
0x41: {  	_ = 	snop;
	(pc) =	sbr.rel @p0 .LBB1_11-.Ltmp2, $1  }
0x42: {  	_ =	sdelay $0x3  }
0x43: {  	p0 =	sgt.s32 s12, $0x2;
	s19 =	smov.u32 s12;
	s20 =	sshra.s32 s12, $0x1F  }
0x44: {  	s21 =	ssub.s32 $0x0, s11;
	s19 =	simm.s32 @!p0 $0x2;
	s20 =	sand.u32 s20, s12  }
0x45: {  	s22 =	sshra.s32 s11, $0x1F;
	s23 =	smov.u32 s11;
	s20 =	ssub.s32 s19, s20  }
0x46: {  	p0 =	sgt.s32 s11, $0x17EA;
	s19 =	sand.u32 s21, s22;
	s20 =	sadd.s32 $0xFFFFFFFE, s20  }
0x47: {  	s23 =	simm.s32 @!p0 $0x17EA;
	p0 =	sgt.s32 s20, $0x0;
	s20 =	sshll.u32 s20, $0x7  }
0x48: {  	s22 =	sadd.s32 $0x1, s12;
	s21 =	sadd.s32 s19, s23;
	s20 =	ssub.s32 $0x80, s20  }
0x49: {  	s23 =	sadd.s32 $0x80, s11;
	s20 =	simm.s32 @p0 $0x0;
	p0 =	slt.s32 s22, $0x3  }
0x4a: {  	s30 =	sadd.s32 $0xFFFFE816, s21;
	s22 =	simm.s32 @!p0 $0x3;
	p0 =	slt.s32 s23, $0x186A  }
0x4b: {  	s21 =	ssub.s32 $0x186A, s21;
	s22 =	ssub.s32 s22, s12;
	s23 =	simm.s32 @!p0 $0x186A  }
0x4c: {  	p1 =	sgt.s32 s30, $0x7F;
	s23 =	ssub.s32 s23, s11;
	p0 =	slt.s32 s22, $0x1  }
0x4d: {  	s21 =	simm.s32 @p1 $0x0;
	p1 =	slt.s32 @!p0 s23, $0x1  }
0x4e: {  	s21 =	smul.u32 s21, s20;
	p1 =	por p0, p1  }
.Ltmp3:
0x4f: {  	_ = 	snop;
	(pc) =	sbr.rel @p1 .LBB1_10-.Ltmp3, $4  }
0x50: {  	s21 =	sand.u32 $0x3FFFFF80, s21  }
0x51: {  	_ =	swait.ge [sflag:s4], s21  }
0x52: {  	s31 =	sshll.u32 s15, $0xE;
	s24 =	ssub.s32 $0x0, s21;
	[sflag:s4] =	ssyncset.done $0x0  }
0x53: {  	s21 =	sand.u32 $0x4000, s31;
	[sflag:s4] =	ssyncadd.s32 s24  }
0x54: {  	s24 =	sand.u32 $0x4000, s10  }
0x55: {  	s25 =	sor.u32 @!p0 $0x8000, s21;
	s27 =	simm.s32 $0x0;
	s24 =	sor.u32 $0x40, s24  }
.LBB1_4:
0x56: {  	s28 =	sshll.u32 s27, $0x10  }
0x57: {  	s28 =	sshra.s32 s28, $0x2  }
0x58: {  	p1 =	sne.s32 s23, $0x1;
	s28 =	sadd.s32 s28, s25  }
.Ltmp4:
0x59: {  	v0 =	vmov s28;
	(pc) =	sbr.rel @!p1 .LBB1_5-.Ltmp4, $2  }
0x5a: {  	_ =	sdelay $0x2  }
0x5b: {  	v1 =	vld [tilespmem:s24+$0x30];
	s30 =	sadd.s32 $0xFFFFFFFF, s23;
	p0 =	por $0x0, $0x0  }
0x5c: {  	v4 =	vld [tilespmem:s24+$0xFFFFFFC0]  }
0x5d: {  	v5 =	vld [tilespmem:s24+$0xFFFFFFD0]  }
0x5e: {  	v6 =	vld [tilespmem:s24+$0xFFFFFFE0];
	p1 =	sne.s32 s30, $0x1  }
.Ltmp5:
0x5f: {  	s29 =	sand.u32 $0x3F80, s26;
	v2 =	vld [tilespmem:s24+$0xFFFFFFF0];
	(pc) =	sbr.rel @!p1 .LBB1_7-.Ltmp5, $4  }
0x60: {  	v3 =	vld [tilespmem:s24+$0x0];
	[tilespmem:v0+s29+$0x70 ss:$0x1] =	vst.idx.msk $0xffff, v1  }
0x61: {  	[tilespmem:v0+s29+$0x0 ss:$0x1] =	vst.idx.msk $0xffff, v4;
	v4 =	vld [tilespmem:s24+$0x10]  }
0x62: {  	s28 =	sadd.s32 $0x80, s24;
	[tilespmem:v0+s29+$0x10 ss:$0x1] =	vst.idx.msk $0xffff, v5;
	v5 =	vld [tilespmem:s24+$0x20]  }
0x63: {  	s31 =	sadd.s32 $0xFFFFFFFF, s30;
	p0 =	por $0x1, $0x1;
	s30 =	simm.s32 $0x0;
	v1 =	vld [tilespmem:s28+$0x30];
	[tilespmem:v0+s29+$0x20 ss:$0x1] =	vst.idx.msk $0xffff, v6  }
.LBB1_8:
0x64: {  	p1 =	sne.s32 s31, $0x1;
	v6 =	vld [tilespmem:s28+$0xFFFFFFC0];
	[tilespmem:v0+s29+$0x30 ss:$0x1] =	vst.idx.msk $0xffff, v2  }
0x65: {  	v7 =	vld [tilespmem:s28+$0xFFFFFFD0];
	[tilespmem:v0+s29+$0x40 ss:$0x1] =	vst.idx.msk $0xffff, v3  }
0x66: {  	s30 =	sadd.s32 $0x80, s30;
	v8 =	vld [tilespmem:s28+$0xFFFFFFE0];
	[tilespmem:v0+s29+$0x50 ss:$0x1] =	vst.idx.msk $0xffff, v4  }
.Ltmp6:
0x67: {  	v2 =	vld [tilespmem:s28+$0xFFFFFFF0];
	[tilespmem:v0+s29+$0x60 ss:$0x1] =	vst.idx.msk $0xffff, v5;
	s29 =	sand.u32 $0x3F80, s30;
	(pc) =	sbr.rel @p1 .LBB1_8-.Ltmp6, $4  }
0x68: {  	v3 =	vld [tilespmem:s28+$0x0];
	[tilespmem:v0+s29+$0x70 ss:$0x1] =	vst.idx.msk $0xffff, v1  }
0x69: {  	[tilespmem:v0+s29+$0x0 ss:$0x1] =	vst.idx.msk $0xffff, v6;
	v4 =	vld [tilespmem:s28+$0x10]  }
0x6a: {  	[tilespmem:v0+s29+$0x10 ss:$0x1] =	vst.idx.msk $0xffff, v7;
	v5 =	vld [tilespmem:s28+$0x20];
	s28 =	sadd.s32 $0x80, s28  }
0x6b: {  	s31 =	sadd.s32 $0xFFFFFFFF, s31;
	v1 =	vld [tilespmem:s28+$0x30];
	[tilespmem:v0+s29+$0x20 ss:$0x1] =	vst.idx.msk $0xffff, v8  }
.LBB1_9:
0x6c: {  	_ =	sdelay $0x3  }
0x6d: {  	v6 =	vld [tilespmem:s28+$0xFFFFFFC0];
	[tilespmem:v0+s29+$0x30 ss:$0x1] =	vst.idx.msk @p0 $0xffff, v2  }
0x6e: {  	v58 =	vld [tilespmem:s28+$0xFFFFFFD0];
	s30 =	sadd.s32 @p0 $0x80, s30;
	s31 =	simm.s32 $0x0;
	[tilespmem:v0+s29+$0x40 ss:$0x1] =	vst.idx.msk @p0 $0xffff, v3  }
0x6f: {  	v59 =	vld [tilespmem:s28+$0xFFFFFFE0];
	s31 =	smov.u32 @p0 s30;
	[tilespmem:v0+s29+$0x50 ss:$0x1] =	vst.idx.msk @p0 $0xffff, v4  }
0x70: {  	v60 =	vld [tilespmem:s28+$0xFFFFFFF0];
	s30 =	sand.u32 $0x3F80, s31;
	[tilespmem:v0+s29+$0x60 ss:$0x1] =	vst.idx.msk @p0 $0xffff, v5  }
0x71: {  	v61 =	vld [tilespmem:s28+$0x0];
	[tilespmem:v0+s30+$0x70 ss:$0x1] =	vst.idx.msk $0xffff, v1  }
0x72: {  	v62 =	vld [tilespmem:s28+$0x10];
	s27 =	sadd.s32 $0x1, s27;
	[tilespmem:v0+s30+$0x0 ss:$0x1] =	vst.idx.msk $0xffff, v6  }
0x73: {  	v63 =	vld [tilespmem:s28+$0x20];
	p0 =	sne.s32 s27, s22;
	[tilespmem:v0+s30+$0x10 ss:$0x1] =	vst.idx.msk $0xffff, v58  }
.Ltmp7:
0x74: {  	[tilespmem:v0+s30+$0x20 ss:$0x1] =	vst.idx.msk $0xffff, v59;
	(pc) =	sbr.rel @p0 .LBB1_4-.Ltmp7, $4  }
.Ltmp8:
0x75: {  	[tilespmem:v0+s30+$0x30 ss:$0x1] =	vst.idx.msk $0xffff, v60;
	(pc) =	sbr.rel @!p0 .LBB1_10-.Ltmp8, $4  }
0x76: {  	[tilespmem:v0+s30+$0x40 ss:$0x1] =	vst.idx.msk $0xffff, v61  }
0x77: {  	[tilespmem:v0+s30+$0x50 ss:$0x1] =	vst.idx.msk $0xffff, v62  }
0x78: {  	s24 =	sadd.s32 $0x4000, s24;
	[tilespmem:v0+s30+$0x60 ss:$0x1] =	vst.idx.msk $0xffff, v63  }
0x79: {  	_ = 	snop  }
.LBB1_5:
.Ltmp9:
0x7a: {  	(pc) =	sbr.rel .LBB1_9-.Ltmp9, $2  }
0x7b: {  	_ =	sdelay $0x2  }
0x7c: {  	s28 =	smov.u32 s24;
	s30 =	simm.s32 $0x0  }
.LBB1_7:
.Ltmp10:
0x7d: {  	(pc) =	sbr.rel .LBB1_9-.Ltmp10, $2  }
0x7e: {  	_ =	sdelay $0x2  }
0x7f: {  	s30 =	simm.s32 $0x0  }
.LBB1_12:
0x80: {  	_ =	sfence.sel $0x180000  }
0x81: {  	s2 =	simm.s32 $0x1;
	[bflag:$0x0] =	sbarrier.arrive $0xFFFF  }
0x82: {  	s31 =	simm.s32 $0x2;
	[sflag:s2] =	ssyncpa.u1 $0x1  }
0x83: {  	[sflag:s31] =	ssyncpa.u1 $0x1  }
0x84: {  	p0 =	sne.s32 s0, $0x0;
	_ =	strace $0x9000004A  }
0x85: {  	s0 =	sadd.s32 @!p0 $0x100000, s1;
	[bflag:$0x2] =	sbarrier.arrive $0xFFFF  }
0x86: {  	[sflag:s0] =	ssyncadd.tile.s32 @!p0 $0x1;
	_ =	shalt  }
.Lfunc_end1:
_tile_overlayer_lowered:
.L_overlay_start_2:
0x87: {  	(tag) =	ssettag $0x2  }
0x88: {  	s0 =	rddreg [dreg:$0x0];
	s2 =	stileid.u32  }
0x89: {  	s1 =	rddreg [dreg:$0x1];
	p0 =	sne.s32 s2, $0x0  }
0x8a: {  	s3 =	rddreg [dreg:$0x2];
	[bflag:$0x3] =	sbarrier.arrive $0xFFFF;
	s2 =	simm.s32 @!p0 $0x1C01  }
0x8b: {  	[timem:s3], [sflag:s2] =	dma.local @!p0 [hbm:s0], s1  }
0x8c: {  	s0 =	simm.s32 @!p0 $0x1  }
0x8d: {  	_ =	swait.ge @!p0 [sflag:s0], s1  }
0x8e: {  	s1 =	ssub.s32 @!p0 $0x0, s1;
	[sflag:s0] =	ssyncset.done @!p0 $0x0  }
0x8f: {  	[sflag:s0] =	ssyncadd.s32 @!p0 s1  }
0x90: {  	[bflag:$0x3] =	sbarrier.arrive $0xFFFF  }
0x91: {  	_ =	shalt  }

</sc_bundles>
